<compile_context>
chip_gen: v7x
topology: tpu7x:2x2x1
jax: 0.10.2.dev20260603
libtpu: 0.0.44.dev20260713+nightly
codegen_flags: <defaults>
</compile_context>

<pallas_src>
import functools

import jax
import jax.numpy as jnp
from jax import lax
from jax.experimental import pallas as pl
from jax.experimental.pallas import tpu as pltpu
from jax.experimental.pallas import tpu_sc as plsc

B = 1024
S = 200
D = 64
N = B * S
NW = 32
PER_W = N // NW
CHUNK = 128
N_CHUNKS = PER_W // CHUNK
LANES = 16
DBLK = D // LANES
NBUF = 2


def _sc_body(seq_hbm, pos_hbm, pap_hbm, tok_tab, pos_tab, pap_tab,
             w_hbm, b_hbm, out_hbm,
             idx_tok, idx_pos, idx_pap, buf_tok, buf_pos, buf_pap,
             buf_out, w_v, b_v, gsem, osem):
    wid = lax.axis_index("s") * 2 + lax.axis_index("c")

    pltpu.sync_copy(seq_hbm.at[wid], idx_tok)
    pltpu.sync_copy(pos_hbm.at[wid], idx_pos)
    pltpu.sync_copy(pap_hbm.at[wid], idx_pap)
    pltpu.sync_copy(w_hbm, w_v)
    pltpu.sync_copy(b_hbm, b_v)

    w_tok = [w_v[0, pl.ds(j * LANES, LANES)] for j in range(DBLK)]
    w_pap = [w_v[1, pl.ds(j * LANES, LANES)] for j in range(DBLK)]
    w_pos = [w_v[2, pl.ds(j * LANES, LANES)] for j in range(DBLK)]
    bias = [b_v[pl.ds(j * LANES, LANES)] for j in range(DBLK)]

    def fire(c, slot):
        pltpu.async_copy(tok_tab.at[idx_tok.at[c]], buf_tok.at[slot], gsem)
        pltpu.async_copy(pap_tab.at[idx_pap.at[c]], buf_pap.at[slot], gsem)
        pltpu.async_copy(pos_tab.at[idx_pos.at[c]], buf_pos.at[slot], gsem)

    def drain_gathers(slot):
        pltpu.make_async_copy(tok_tab.at[idx_tok.at[0]], buf_tok.at[slot],
                              gsem).wait()
        pltpu.make_async_copy(pap_tab.at[idx_pap.at[0]], buf_pap.at[slot],
                              gsem).wait()
        pltpu.make_async_copy(pos_tab.at[idx_pos.at[0]], buf_pos.at[slot],
                              gsem).wait()

    fire(0, 0)

    def chunk_body(c, carry):
        slot = c % NBUF
        drain_gathers(slot)

        @pl.when(c + 1 < N_CHUNKS)
        def _():
            fire(c + 1, (c + 1) % NBUF)

        tok, pap, pos, out = (buf_tok.at[slot], buf_pap.at[slot],
                              buf_pos.at[slot], buf_out.at[slot])
        dst = out_hbm.at[pl.ds(wid * PER_W + c * CHUNK, CHUNK), :]

        @pl.when(c >= NBUF)
        def _():
            pltpu.make_async_copy(out, dst, osem).wait()

        def row_body(r, carry2):
            for j in range(DBLK):
                ds = pl.ds(j * LANES, LANES)
                acc = tok[r, ds] * w_tok[j]
                acc += pap[r, ds] * w_pap[j]
                acc += pos[r, ds] * w_pos[j]
                out[r, ds] = acc + bias[j]
            return carry2

        lax.fori_loop(0, CHUNK, row_body, 0, unroll=4)

        pltpu.async_copy(out, dst, osem)
        return carry

    lax.fori_loop(0, N_CHUNKS, chunk_body, 0)

    for t in range(NBUF):
        c = N_CHUNKS - NBUF + t
        pltpu.make_async_copy(
            buf_out.at[c % NBUF],
            out_hbm.at[pl.ds(wid * PER_W + c * CHUNK, CHUNK), :],
            osem).wait()


def kernel(sequence, position_ids, paper_ids, token_table, position_table,
           paper_table, embedding_weights, embedding_bias):
    seq3d = sequence.reshape(NW, N_CHUNKS, CHUNK).astype(jnp.int32)
    pos3d = position_ids.reshape(NW, N_CHUNKS, CHUNK).astype(jnp.int32)
    pap3d = paper_ids.reshape(NW, N_CHUNKS, CHUNK).astype(jnp.int32)

    mesh = plsc.VectorSubcoreMesh(core_axis_name="c", subcore_axis_name="s")
    run = functools.partial(
        pl.kernel,
        mesh=mesh,
        compiler_params=pltpu.CompilerParams(use_tc_tiling_on_sc=False),
        out_type=jax.ShapeDtypeStruct((N, D), jnp.float32),
        scratch_types=[
            pltpu.VMEM((N_CHUNKS, CHUNK), jnp.int32),
            pltpu.VMEM((N_CHUNKS, CHUNK), jnp.int32),
            pltpu.VMEM((N_CHUNKS, CHUNK), jnp.int32),
            pltpu.VMEM((NBUF, CHUNK, D), jnp.float32),
            pltpu.VMEM((NBUF, CHUNK, D), jnp.float32),
            pltpu.VMEM((NBUF, CHUNK, D), jnp.float32),
            pltpu.VMEM((NBUF, CHUNK, D), jnp.float32),
            pltpu.VMEM((3, D), jnp.float32),
            pltpu.VMEM((D,), jnp.float32),
            pltpu.SemaphoreType.DMA,
            pltpu.SemaphoreType.DMA,
        ],
    )(_sc_body)
    out = run(seq3d, pos3d, pap3d, token_table, position_table, paper_table,
              embedding_weights, embedding_bias)
    return out.reshape(B, S, D)

# --- scband reference (transcript-rebuilt; emitter-appended) ---
"""Pipeline reference for scband-bert-embedding-aepew-68315749810262 (READ-ONLY COPY).

The authoritative reference and input builder live on the scoring server;
editing this copy changes nothing except your own understanding.
"""

import jax, jax.numpy as jnp
import numpy as np

VOCAB = 100000
N_PAPERS = 1000000
EMBED = 64
MAX_LEN = 200
B = 1024
S = 200

def setup_inputs(seed: int = 0) -> dict:
    key = jax.random.key(seed)
    k = jax.random.split(key, 8)
    sequence = jax.random.randint(k[0], (B, S), 0, VOCAB, dtype=jnp.int64 if jax.config.jax_enable_x64 else jnp.int32)
    position_ids = jax.random.randint(k[1], (B, S), 0, MAX_LEN, dtype=jnp.int64 if jax.config.jax_enable_x64 else jnp.int32)
    paper_ids = jax.random.randint(k[2], (B, S), 0, N_PAPERS, dtype=jnp.int64 if jax.config.jax_enable_x64 else jnp.int32)
    token_table = jax.random.normal(k[3], (VOCAB, EMBED), dtype=jnp.float32) * 0.02
    token_table = token_table.at[0].set(0.0)  # padding_idx=0
    position_table = jax.random.normal(k[4], (MAX_LEN, EMBED), dtype=jnp.float32) * 0.02
    position_table = position_table.at[0].set(0.0)
    paper_table = jax.random.normal(k[5], (N_PAPERS, EMBED), dtype=jnp.float32) * 0.02
    paper_table = paper_table.at[0].set(0.0)
    embedding_weights = jax.random.normal(k[6], (3, EMBED), dtype=jnp.float32) * 0.02
    embedding_bias = jnp.zeros((EMBED,), dtype=jnp.float32)
    return {
        "sequence": sequence,
        "position_ids": position_ids,
        "paper_ids": paper_ids,
        "token_table": token_table,
        "position_table": position_table,
        "paper_table": paper_table,
        "embedding_weights": embedding_weights,
        "embedding_bias": embedding_bias,
    }

def reference(sequence, position_ids, paper_ids, token_table, position_table, paper_table, embedding_weights, embedding_bias):
    # token_emb: [B, S, 1, D]; paper_emb; pos_emb; concat on dim 2 -> [B, S, 3, D]
    token_emb = jnp.take(token_table, sequence, axis=0)
    paper_emb = jnp.take(paper_table, paper_ids, axis=0)
    pos_emb = jnp.take(position_table, position_ids, axis=0)
    embeddings_concat = jnp.stack((token_emb, paper_emb, pos_emb), axis=2)  # [B,S,3,D]
    x = jnp.einsum('bsed,ed->bsd', embeddings_concat, embedding_weights)
    x = x + embedding_bias
    # dropout is identity in eval/reference mode
    return x

if __name__ == "__main__":
    import jax
    _d = setup_inputs()
    print(jax.jit(kernel)(*tuple(_d.values())))

</pallas_src>

<mosaic_0001>
#map = affine_map<(d0, d1) -> (0, 0, 0)>
#map1 = affine_map<(d0, d1) -> (0, 0)>
#map2 = affine_map<(d0, d1) -> (0)>
module attributes {stable_mosaic.version = 14 : i64} {
  func.func @_sc_body(%arg0: i32, %arg1: i32, %arg2: memref<32x50x128xi32, #tpu.memory_space<hbm>>, %arg3: memref<32x50x128xi32, #tpu.memory_space<hbm>>, %arg4: memref<32x50x128xi32, #tpu.memory_space<hbm>>, %arg5: memref<100000x64xf32, #tpu.memory_space<hbm>>, %arg6: memref<200x64xf32, #tpu.memory_space<hbm>>, %arg7: memref<1000000x64xf32, #tpu.memory_space<hbm>>, %arg8: memref<3x64xf32, #tpu.memory_space<hbm>>, %arg9: memref<64xf32, #tpu.memory_space<hbm>>, %arg10: memref<204800x64xf32, #tpu.memory_space<hbm>>, %arg11: memref<50x128xi32, #tpu.memory_space<vmem>>, %arg12: memref<50x128xi32, #tpu.memory_space<vmem>>, %arg13: memref<50x128xi32, #tpu.memory_space<vmem>>, %arg14: memref<2x128x64xf32, #tpu.memory_space<vmem>>, %arg15: memref<2x128x64xf32, #tpu.memory_space<vmem>>, %arg16: memref<2x128x64xf32, #tpu.memory_space<vmem>>, %arg17: memref<2x128x64xf32, #tpu.memory_space<vmem>>, %arg18: memref<3x64xf32, #tpu.memory_space<vmem>>, %arg19: memref<64xf32, #tpu.memory_space<vmem>>, %arg20: memref<!tpu.dma_semaphore, #tpu.memory_space<semaphore_mem>>, %arg21: memref<!tpu.dma_semaphore, #tpu.memory_space<semaphore_mem>>) attributes {dimension_semantics = [#tpu.dimension_semantics<core_parallel>, #tpu.dimension_semantics<subcore_parallel>], iteration_bounds = array<i64: 2, 16>, scalar_prefetch = 0 : i64, scratch_operands = 11 : i64, tpu.core_type = #tpu.core_type<sc_vector_subcore>, window_params = [{transform_indices = #map}, {transform_indices = #map}, {transform_indices = #map}, {transform_indices = #map1}, {transform_indices = #map1}, {transform_indices = #map1}, {transform_indices = #map1}, {transform_indices = #map2}, {transform_indices = #map1}]} {
    %mul3A = arith.constant 2 : i32
    %mul3A_0 = arith.muli %arg1, %mul3A : i32
    %add3A = arith.addi %mul3A_0, %arg0 : i32
    "tpu.region"() ({
      %run_scoped3A = tpu.sem_alloc : memref<!tpu.dma_semaphore, #tpu.memory_space<semaphore_mem>>
      %dma_start3A_145 = arith.constant 0 : i32
      %dma_start3A_146 = arith.constant 0 : i32
      %dma_start3A_147 = tpu.memref_slice %arg2[%add3A, %dma_start3A_145, %dma_start3A_146] : memref<32x50x128xi32, #tpu.memory_space<hbm>> -> memref<1x50x128xi32, #tpu.memory_space<hbm>>
      %dma_start3A_148 = tpu.memref_squeeze %dma_start3A_147 : memref<1x50x128xi32, #tpu.memory_space<hbm>> -> memref<50x128xi32, #tpu.memory_space<hbm>>
      %dma_start3A_149 = arith.constant 0 : i32
      %dma_start3A_150 = arith.constant 0 : i32
      %dma_start3A_151 = tpu.memref_slice %arg2[%add3A, %dma_start3A_149, %dma_start3A_150] : memref<32x50x128xi32, #tpu.memory_space<hbm>> -> memref<1x50x128xi32, #tpu.memory_space<hbm>>
      %dma_start3A_152 = tpu.memref_squeeze %dma_start3A_151 : memref<1x50x128xi32, #tpu.memory_space<hbm>> -> memref<50x128xi32, #tpu.memory_space<hbm>>
      tpu.enqueue_dma source(%dma_start3A_152 : memref<50x128xi32, #tpu.memory_space<hbm>>) target(%arg11 : memref<50x128xi32, #tpu.memory_space<vmem>>) target_semaphore(%run_scoped3A : memref<!tpu.dma_semaphore, #tpu.memory_space<semaphore_mem>>)
      %dma_wait3A_153 = arith.constant 0 : i32
      %dma_wait3A_154 = arith.constant 0 : i32
      %dma_wait3A_155 = tpu.memref_slice %arg2[%add3A, %dma_wait3A_153, %dma_wait3A_154] : memref<32x50x128xi32, #tpu.memory_space<hbm>> -> memref<1x50x128xi32, #tpu.memory_space<hbm>>
      %dma_wait3A_156 = tpu.memref_squeeze %dma_wait3A_155 : memref<1x50x128xi32, #tpu.memory_space<hbm>> -> memref<50x128xi32, #tpu.memory_space<hbm>>
      %dma_wait3A_157 = arith.constant 0 : i32
      %dma_wait3A_158 = arith.constant 0 : i32
      %dma_wait3A_159 = tpu.memref_slice %arg2[%add3A, %dma_wait3A_157, %dma_wait3A_158] : memref<32x50x128xi32, #tpu.memory_space<hbm>> -> memref<1x50x128xi32, #tpu.memory_space<hbm>>
      %dma_wait3A_160 = tpu.memref_squeeze %dma_wait3A_159 : memref<1x50x128xi32, #tpu.memory_space<hbm>> -> memref<50x128xi32, #tpu.memory_space<hbm>>
      tpu.wait_dma2 semaphore(%run_scoped3A : memref<!tpu.dma_semaphore, #tpu.memory_space<semaphore_mem>>) src(%dma_wait3A_160 : memref<50x128xi32, #tpu.memory_space<hbm>>) dst(%arg11 : memref<50x128xi32, #tpu.memory_space<vmem>>)
      tpu.yield
    }) : () -> ()
    "tpu.region"() ({
      %run_scoped3A = tpu.sem_alloc : memref<!tpu.dma_semaphore, #tpu.memory_space<semaphore_mem>>
      %dma_start3A_145 = arith.constant 0 : i32
      %dma_start3A_146 = arith.constant 0 : i32
      %dma_start3A_147 = tpu.memref_slice %arg3[%add3A, %dma_start3A_145, %dma_start3A_146] : memref<32x50x128xi32, #tpu.memory_space<hbm>> -> memref<1x50x128xi32, #tpu.memory_space<hbm>>
      %dma_start3A_148 = tpu.memref_squeeze %dma_start3A_147 : memref<1x50x128xi32, #tpu.memory_space<hbm>> -> memref<50x128xi32, #tpu.memory_space<hbm>>
      %dma_start3A_149 = arith.constant 0 : i32
      %dma_start3A_150 = arith.constant 0 : i32
      %dma_start3A_151 = tpu.memref_slice %arg3[%add3A, %dma_start3A_149, %dma_start3A_150] : memref<32x50x128xi32, #tpu.memory_space<hbm>> -> memref<1x50x128xi32, #tpu.memory_space<hbm>>
      %dma_start3A_152 = tpu.memref_squeeze %dma_start3A_151 : memref<1x50x128xi32, #tpu.memory_space<hbm>> -> memref<50x128xi32, #tpu.memory_space<hbm>>
      tpu.enqueue_dma source(%dma_start3A_152 : memref<50x128xi32, #tpu.memory_space<hbm>>) target(%arg12 : memref<50x128xi32, #tpu.memory_space<vmem>>) target_semaphore(%run_scoped3A : memref<!tpu.dma_semaphore, #tpu.memory_space<semaphore_mem>>)
      %dma_wait3A_153 = arith.constant 0 : i32
      %dma_wait3A_154 = arith.constant 0 : i32
      %dma_wait3A_155 = tpu.memref_slice %arg3[%add3A, %dma_wait3A_153, %dma_wait3A_154] : memref<32x50x128xi32, #tpu.memory_space<hbm>> -> memref<1x50x128xi32, #tpu.memory_space<hbm>>
      %dma_wait3A_156 = tpu.memref_squeeze %dma_wait3A_155 : memref<1x50x128xi32, #tpu.memory_space<hbm>> -> memref<50x128xi32, #tpu.memory_space<hbm>>
      %dma_wait3A_157 = arith.constant 0 : i32
      %dma_wait3A_158 = arith.constant 0 : i32
      %dma_wait3A_159 = tpu.memref_slice %arg3[%add3A, %dma_wait3A_157, %dma_wait3A_158] : memref<32x50x128xi32, #tpu.memory_space<hbm>> -> memref<1x50x128xi32, #tpu.memory_space<hbm>>
      %dma_wait3A_160 = tpu.memref_squeeze %dma_wait3A_159 : memref<1x50x128xi32, #tpu.memory_space<hbm>> -> memref<50x128xi32, #tpu.memory_space<hbm>>
      tpu.wait_dma2 semaphore(%run_scoped3A : memref<!tpu.dma_semaphore, #tpu.memory_space<semaphore_mem>>) src(%dma_wait3A_160 : memref<50x128xi32, #tpu.memory_space<hbm>>) dst(%arg12 : memref<50x128xi32, #tpu.memory_space<vmem>>)
      tpu.yield
    }) : () -> ()
    "tpu.region"() ({
      %run_scoped3A = tpu.sem_alloc : memref<!tpu.dma_semaphore, #tpu.memory_space<semaphore_mem>>
      %dma_start3A_145 = arith.constant 0 : i32
      %dma_start3A_146 = arith.constant 0 : i32
      %dma_start3A_147 = tpu.memref_slice %arg4[%add3A, %dma_start3A_145, %dma_start3A_146] : memref<32x50x128xi32, #tpu.memory_space<hbm>> -> memref<1x50x128xi32, #tpu.memory_space<hbm>>
      %dma_start3A_148 = tpu.memref_squeeze %dma_start3A_147 : memref<1x50x128xi32, #tpu.memory_space<hbm>> -> memref<50x128xi32, #tpu.memory_space<hbm>>
      %dma_start3A_149 = arith.constant 0 : i32
      %dma_start3A_150 = arith.constant 0 : i32
      %dma_start3A_151 = tpu.memref_slice %arg4[%add3A, %dma_start3A_149, %dma_start3A_150] : memref<32x50x128xi32, #tpu.memory_space<hbm>> -> memref<1x50x128xi32, #tpu.memory_space<hbm>>
      %dma_start3A_152 = tpu.memref_squeeze %dma_start3A_151 : memref<1x50x128xi32, #tpu.memory_space<hbm>> -> memref<50x128xi32, #tpu.memory_space<hbm>>
      tpu.enqueue_dma source(%dma_start3A_152 : memref<50x128xi32, #tpu.memory_space<hbm>>) target(%arg13 : memref<50x128xi32, #tpu.memory_space<vmem>>) target_semaphore(%run_scoped3A : memref<!tpu.dma_semaphore, #tpu.memory_space<semaphore_mem>>)
      %dma_wait3A_153 = arith.constant 0 : i32
      %dma_wait3A_154 = arith.constant 0 : i32
      %dma_wait3A_155 = tpu.memref_slice %arg4[%add3A, %dma_wait3A_153, %dma_wait3A_154] : memref<32x50x128xi32, #tpu.memory_space<hbm>> -> memref<1x50x128xi32, #tpu.memory_space<hbm>>
      %dma_wait3A_156 = tpu.memref_squeeze %dma_wait3A_155 : memref<1x50x128xi32, #tpu.memory_space<hbm>> -> memref<50x128xi32, #tpu.memory_space<hbm>>
      %dma_wait3A_157 = arith.constant 0 : i32
      %dma_wait3A_158 = arith.constant 0 : i32
      %dma_wait3A_159 = tpu.memref_slice %arg4[%add3A, %dma_wait3A_157, %dma_wait3A_158] : memref<32x50x128xi32, #tpu.memory_space<hbm>> -> memref<1x50x128xi32, #tpu.memory_space<hbm>>
      %dma_wait3A_160 = tpu.memref_squeeze %dma_wait3A_159 : memref<1x50x128xi32, #tpu.memory_space<hbm>> -> memref<50x128xi32, #tpu.memory_space<hbm>>
      tpu.wait_dma2 semaphore(%run_scoped3A : memref<!tpu.dma_semaphore, #tpu.memory_space<semaphore_mem>>) src(%dma_wait3A_160 : memref<50x128xi32, #tpu.memory_space<hbm>>) dst(%arg13 : memref<50x128xi32, #tpu.memory_space<vmem>>)
      tpu.yield
    }) : () -> ()
    "tpu.region"() ({
      %run_scoped3A = tpu.sem_alloc : memref<!tpu.dma_semaphore, #tpu.memory_space<semaphore_mem>>
      tpu.enqueue_dma source(%arg8 : memref<3x64xf32, #tpu.memory_space<hbm>>) target(%arg18 : memref<3x64xf32, #tpu.memory_space<vmem>>) target_semaphore(%run_scoped3A : memref<!tpu.dma_semaphore, #tpu.memory_space<semaphore_mem>>)
      tpu.wait_dma2 semaphore(%run_scoped3A : memref<!tpu.dma_semaphore, #tpu.memory_space<semaphore_mem>>) src(%arg8 : memref<3x64xf32, #tpu.memory_space<hbm>>) dst(%arg18 : memref<3x64xf32, #tpu.memory_space<vmem>>)
      tpu.yield
    }) : () -> ()
    "tpu.region"() ({
      %run_scoped3A = tpu.sem_alloc : memref<!tpu.dma_semaphore, #tpu.memory_space<semaphore_mem>>
      tpu.enqueue_dma source(%arg9 : memref<64xf32, #tpu.memory_space<hbm>>) target(%arg19 : memref<64xf32, #tpu.memory_space<vmem>>) target_semaphore(%run_scoped3A : memref<!tpu.dma_semaphore, #tpu.memory_space<semaphore_mem>>)
      tpu.wait_dma2 semaphore(%run_scoped3A : memref<!tpu.dma_semaphore, #tpu.memory_space<semaphore_mem>>) src(%arg9 : memref<64xf32, #tpu.memory_space<hbm>>) dst(%arg19 : memref<64xf32, #tpu.memory_space<vmem>>)
      tpu.yield
    }) : () -> ()
    %get3A = arith.constant 0 : i32
    %get3A_1 = arith.index_cast %get3A : i32 to index
    %get3A_2 = arith.constant 0 : index
    %get3A_3 = tpu.vector_load %arg18[%get3A_1, %get3A_2] {strides = array<i32>} : memref<3x64xf32, #tpu.memory_space<vmem>>, vector<1x16xf32>,
    %get3A_4 = vector.shape_cast %get3A_3 : vector<1x16xf32> to vector<16xf32>
    %get3A_5 = arith.constant 0 : i32
    %get3A_6 = arith.index_cast %get3A_5 : i32 to index
    %get3A_7 = arith.constant 16 : index
    %get3A_8 = tpu.vector_load %arg18[%get3A_6, %get3A_7] {strides = array<i32>} : memref<3x64xf32, #tpu.memory_space<vmem>>, vector<1x16xf32>,
    %get3A_9 = vector.shape_cast %get3A_8 : vector<1x16xf32> to vector<16xf32>
    %get3A_10 = arith.constant 0 : i32
    %get3A_11 = arith.index_cast %get3A_10 : i32 to index
    %get3A_12 = arith.constant 32 : index
    %get3A_13 = tpu.vector_load %arg18[%get3A_11, %get3A_12] {strides = array<i32>} : memref<3x64xf32, #tpu.memory_space<vmem>>, vector<1x16xf32>,
    %get3A_14 = vector.shape_cast %get3A_13 : vector<1x16xf32> to vector<16xf32>
    %get3A_15 = arith.constant 0 : i32
    %get3A_16 = arith.index_cast %get3A_15 : i32 to index
    %get3A_17 = arith.constant 48 : index
    %get3A_18 = tpu.vector_load %arg18[%get3A_16, %get3A_17] {strides = array<i32>} : memref<3x64xf32, #tpu.memory_space<vmem>>, vector<1x16xf32>,
    %get3A_19 = vector.shape_cast %get3A_18 : vector<1x16xf32> to vector<16xf32>
    %get3A_20 = arith.constant 1 : i32
    %get3A_21 = arith.index_cast %get3A_20 : i32 to index
    %get3A_22 = arith.constant 0 : index
    %get3A_23 = tpu.vector_load %arg18[%get3A_21, %get3A_22] {strides = array<i32>} : memref<3x64xf32, #tpu.memory_space<vmem>>, vector<1x16xf32>,
    %get3A_24 = vector.shape_cast %get3A_23 : vector<1x16xf32> to vector<16xf32>
    %get3A_25 = arith.constant 1 : i32
    %get3A_26 = arith.index_cast %get3A_25 : i32 to index
    %get3A_27 = arith.constant 16 : index
    %get3A_28 = tpu.vector_load %arg18[%get3A_26, %get3A_27] {strides = array<i32>} : memref<3x64xf32, #tpu.memory_space<vmem>>, vector<1x16xf32>,
    %get3A_29 = vector.shape_cast %get3A_28 : vector<1x16xf32> to vector<16xf32>
    %get3A_30 = arith.constant 1 : i32
    %get3A_31 = arith.index_cast %get3A_30 : i32 to index
    %get3A_32 = arith.constant 32 : index
    %get3A_33 = tpu.vector_load %arg18[%get3A_31, %get3A_32] {strides = array<i32>} : memref<3x64xf32, #tpu.memory_space<vmem>>, vector<1x16xf32>,
    %get3A_34 = vector.shape_cast %get3A_33 : vector<1x16xf32> to vector<16xf32>
    %get3A_35 = arith.constant 1 : i32
    %get3A_36 = arith.index_cast %get3A_35 : i32 to index
    %get3A_37 = arith.constant 48 : index
    %get3A_38 = tpu.vector_load %arg18[%get3A_36, %get3A_37] {strides = array<i32>} : memref<3x64xf32, #tpu.memory_space<vmem>>, vector<1x16xf32>,
    %get3A_39 = vector.shape_cast %get3A_38 : vector<1x16xf32> to vector<16xf32>
    %get3A_40 = arith.constant 2 : i32
    %get3A_41 = arith.index_cast %get3A_40 : i32 to index
    %get3A_42 = arith.constant 0 : index
    %get3A_43 = tpu.vector_load %arg18[%get3A_41, %get3A_42] {strides = array<i32>} : memref<3x64xf32, #tpu.memory_space<vmem>>, vector<1x16xf32>,
    %get3A_44 = vector.shape_cast %get3A_43 : vector<1x16xf32> to vector<16xf32>
    %get3A_45 = arith.constant 2 : i32
    %get3A_46 = arith.index_cast %get3A_45 : i32 to index
    %get3A_47 = arith.constant 16 : index
    %get3A_48 = tpu.vector_load %arg18[%get3A_46, %get3A_47] {strides = array<i32>} : memref<3x64xf32, #tpu.memory_space<vmem>>, vector<1x16xf32>,
    %get3A_49 = vector.shape_cast %get3A_48 : vector<1x16xf32> to vector<16xf32>
    %get3A_50 = arith.constant 2 : i32
    %get3A_51 = arith.index_cast %get3A_50 : i32 to index
    %get3A_52 = arith.constant 32 : index
    %get3A_53 = tpu.vector_load %arg18[%get3A_51, %get3A_52] {strides = array<i32>} : memref<3x64xf32, #tpu.memory_space<vmem>>, vector<1x16xf32>,
    %get3A_54 = vector.shape_cast %get3A_53 : vector<1x16xf32> to vector<16xf32>
    %get3A_55 = arith.constant 2 : i32
    %get3A_56 = arith.index_cast %get3A_55 : i32 to index
    %get3A_57 = arith.constant 48 : index
    %get3A_58 = tpu.vector_load %arg18[%get3A_56, %get3A_57] {strides = array<i32>} : memref<3x64xf32, #tpu.memory_space<vmem>>, vector<1x16xf32>,
    %get3A_59 = vector.shape_cast %get3A_58 : vector<1x16xf32> to vector<16xf32>
    %get3A_60 = arith.constant 0 : index
    %get3A_61 = tpu.vector_load %arg19[%get3A_60] {strides = array<i32>} : memref<64xf32, #tpu.memory_space<vmem>>, vector<16xf32>,
    %get3A_62 = vector.shape_cast %get3A_61 : vector<16xf32> to vector<16xf32>
    %get3A_63 = arith.constant 16 : index
    %get3A_64 = tpu.vector_load %arg19[%get3A_63] {strides = array<i32>} : memref<64xf32, #tpu.memory_space<vmem>>, vector<16xf32>,
    %get3A_65 = vector.shape_cast %get3A_64 : vector<16xf32> to vector<16xf32>
    %get3A_66 = arith.constant 32 : index
    %get3A_67 = tpu.vector_load %arg19[%get3A_66] {strides = array<i32>} : memref<64xf32, #tpu.memory_space<vmem>>, vector<16xf32>,
    %get3A_68 = vector.shape_cast %get3A_67 : vector<16xf32> to vector<16xf32>
    %get3A_69 = arith.constant 48 : index
    %get3A_70 = tpu.vector_load %arg19[%get3A_69] {strides = array<i32>} : memref<64xf32, #tpu.memory_space<vmem>>, vector<16xf32>,
    %get3A_71 = vector.shape_cast %get3A_70 : vector<16xf32> to vector<16xf32>
    %dma_start3A = arith.constant 0 : i32
    %dma_start3A_72 = arith.constant 0 : i32
    %dma_start3A_73 = arith.constant 0 : i32
    %dma_start3A_74 = arith.constant 0 : i32
    %dma_start3A_75 = tpu.memref_slice %arg14[%dma_start3A_72, %dma_start3A_73, %dma_start3A_74] : memref<2x128x64xf32, #tpu.memory_space<vmem>> -> memref<1x128x64xf32, #tpu.memory_space<vmem>>
    %dma_start3A_76 = tpu.memref_squeeze %dma_start3A_75 : memref<1x128x64xf32, #tpu.memory_space<vmem>> -> memref<128x64xf32, #tpu.memory_space<vmem>>
    %dma_start3A_77 = arith.constant 0 : i32
    %dma_start3A_78 = tpu.memref_slice %arg11[%dma_start3A, %dma_start3A_77] : memref<50x128xi32, #tpu.memory_space<vmem>> -> memref<1x128xi32, #tpu.memory_space<vmem>>
    %dma_start3A_79 = tpu.memref_squeeze %dma_start3A_78 : memref<1x128xi32, #tpu.memory_space<vmem>> -> memref<128xi32, #tpu.memory_space<vmem>>
    %dma_start3A_80 = arith.constant 0 : i32
    %dma_start3A_81 = arith.constant 0 : i32
    %dma_start3A_82 = tpu.memref_slice %arg5[%dma_start3A_80, %dma_start3A_81] : memref<100000x64xf32, #tpu.memory_space<hbm>> -> memref<100000x64xf32, #tpu.memory_space<hbm>>
    tpu.enqueue_indirect_dma source(%dma_start3A_82 : memref<100000x64xf32, #tpu.memory_space<hbm>>) target(%dma_start3A_76 : memref<128x64xf32, #tpu.memory_space<vmem>>) offsets(%dma_start3A_79 : memref<128xi32, #tpu.memory_space<vmem>>) semaphore(%arg20 : memref<!tpu.dma_semaphore, #tpu.memory_space<semaphore_mem>>)
    %dma_start3A_83 = arith.constant 0 : i32
    %dma_start3A_84 = arith.constant 0 : i32
    %dma_start3A_85 = arith.constant 0 : i32
    %dma_start3A_86 = arith.constant 0 : i32
    %dma_start3A_87 = tpu.memref_slice %arg16[%dma_start3A_84, %dma_start3A_85, %dma_start3A_86] : memref<2x128x64xf32, #tpu.memory_space<vmem>> -> memref<1x128x64xf32, #tpu.memory_space<vmem>>
    %dma_start3A_88 = tpu.memref_squeeze %dma_start3A_87 : memref<1x128x64xf32, #tpu.memory_space<vmem>> -> memref<128x64xf32, #tpu.memory_space<vmem>>
    %dma_start3A_89 = arith.constant 0 : i32
    %dma_start3A_90 = tpu.memref_slice %arg13[%dma_start3A_83, %dma_start3A_89] : memref<50x128xi32, #tpu.memory_space<vmem>> -> memref<1x128xi32, #tpu.memory_space<vmem>>
    %dma_start3A_91 = tpu.memref_squeeze %dma_start3A_90 : memref<1x128xi32, #tpu.memory_space<vmem>> -> memref<128xi32, #tpu.memory_space<vmem>>
    %dma_start3A_92 = arith.constant 0 : i32
    %dma_start3A_93 = arith.constant 0 : i32
    %dma_start3A_94 = tpu.memref_slice %arg7[%dma_start3A_92, %dma_start3A_93] : memref<1000000x64xf32, #tpu.memory_space<hbm>> -> memref<1000000x64xf32, #tpu.memory_space<hbm>>
    tpu.enqueue_indirect_dma source(%dma_start3A_94 : memref<1000000x64xf32, #tpu.memory_space<hbm>>) target(%dma_start3A_88 : memref<128x64xf32, #tpu.memory_space<vmem>>) offsets(%dma_start3A_91 : memref<128xi32, #tpu.memory_space<vmem>>) semaphore(%arg20 : memref<!tpu.dma_semaphore, #tpu.memory_space<semaphore_mem>>)
    %dma_start3A_95 = arith.constant 0 : i32
    %dma_start3A_96 = arith.constant 0 : i32
    %dma_start3A_97 = arith.constant 0 : i32
    %dma_start3A_98 = arith.constant 0 : i32
    %dma_start3A_99 = tpu.memref_slice %arg15[%dma_start3A_96, %dma_start3A_97, %dma_start3A_98] : memref<2x128x64xf32, #tpu.memory_space<vmem>> -> memref<1x128x64xf32, #tpu.memory_space<vmem>>
    %dma_start3A_100 = tpu.memref_squeeze %dma_start3A_99 : memref<1x128x64xf32, #tpu.memory_space<vmem>> -> memref<128x64xf32, #tpu.memory_space<vmem>>
    %dma_start3A_101 = arith.constant 0 : i32
    %dma_start3A_102 = tpu.memref_slice %arg12[%dma_start3A_95, %dma_start3A_101] : memref<50x128xi32, #tpu.memory_space<vmem>> -> memref<1x128xi32, #tpu.memory_space<vmem>>
    %dma_start3A_103 = tpu.memref_squeeze %dma_start3A_102 : memref<1x128xi32, #tpu.memory_space<vmem>> -> memref<128xi32, #tpu.memory_space<vmem>>
    %dma_start3A_104 = arith.constant 0 : i32
    %dma_start3A_105 = arith.constant 0 : i32
    %dma_start3A_106 = tpu.memref_slice %arg6[%dma_start3A_104, %dma_start3A_105] : memref<200x64xf32, #tpu.memory_space<hbm>> -> memref<200x64xf32, #tpu.memory_space<hbm>>
    tpu.enqueue_indirect_dma source(%dma_start3A_106 : memref<200x64xf32, #tpu.memory_space<hbm>>) target(%dma_start3A_100 : memref<128x64xf32, #tpu.memory_space<vmem>>) offsets(%dma_start3A_103 : memref<128xi32, #tpu.memory_space<vmem>>) semaphore(%arg20 : memref<!tpu.dma_semaphore, #tpu.memory_space<semaphore_mem>>)
    %scan3A = arith.constant 0 : i32
    %scan3A_107 = arith.constant 0 : i32
    %scan3A_108 = arith.constant 50 : i32
    %scan3A_109 = arith.addi %scan3A_107, %scan3A_108 : i32
    %scan3A_110 = arith.constant 1 : i32
    scf.for %scan3A_145 = %scan3A_107 to %scan3A_109 step %scan3A_110  : i32 {
      %jit3A = arith.constant 2 : i32
      %eq3A = arith.constant 0 : i32
      %eq3A_146 = arith.cmpi eq, %jit3A, %eq3A : i32
      %jit3A_147 = arith.constant 1 : i32
      %select_n3A = arith.select %eq3A_146, %jit3A_147, %jit3A : i32
      %rem3A = arith.remsi %scan3A_145, %select_n3A : i32
      %ne3A = arith.constant 0 : i32
      %ne3A_148 = arith.cmpi ne, %rem3A, %ne3A : i32
      %lt3A = arith.constant 0 : i32
      %lt3A_149 = arith.cmpi slt, %rem3A, %lt3A : i32
      %lt3A_150 = arith.constant 0 : i32
      %lt3A_151 = arith.cmpi slt, %select_n3A, %lt3A_150 : i32
      %ne3A_152 = arith.xori %lt3A_149, %lt3A_151 : i1
      %and3A = arith.andi %ne3A_152, %ne3A_148 : i1
      %add3A_153 = arith.addi %rem3A, %select_n3A : i32
      %select_n3A_154 = arith.select %and3A, %add3A_153, %rem3A : i32
      %dma_wait3A_155 = arith.constant 0 : i32
      %dma_wait3A_156 = arith.constant 0 : i32
      %dma_wait3A_157 = arith.constant 0 : i32
      %dma_wait3A_158 = tpu.memref_slice %arg14[%select_n3A_154, %dma_wait3A_156, %dma_wait3A_157] : memref<2x128x64xf32, #tpu.memory_space<vmem>> -> memref<1x128x64xf32, #tpu.memory_space<vmem>>
      %dma_wait3A_159 = tpu.memref_squeeze %dma_wait3A_158 : memref<1x128x64xf32, #tpu.memory_space<vmem>> -> memref<128x64xf32, #tpu.memory_space<vmem>>
      %dma_wait3A_160 = arith.constant 0 : i32
      %dma_wait3A_161 = tpu.memref_slice %arg11[%dma_wait3A_155, %dma_wait3A_160] : memref<50x128xi32, #tpu.memory_space<vmem>> -> memref<1x128xi32, #tpu.memory_space<vmem>>
      %dma_wait3A_162 = tpu.memref_squeeze %dma_wait3A_161 : memref<1x128xi32, #tpu.memory_space<vmem>> -> memref<128xi32, #tpu.memory_space<vmem>>
      %dma_wait3A_163 = arith.constant 0 : i32
      %dma_wait3A_164 = arith.constant 0 : i32
      %dma_wait3A_165 = tpu.memref_slice %arg5[%dma_wait3A_163, %dma_wait3A_164] : memref<100000x64xf32, #tpu.memory_space<hbm>> -> memref<100000x64xf32, #tpu.memory_space<hbm>>
      tpu.wait_indirect_dma semaphore(%arg20 : memref<!tpu.dma_semaphore, #tpu.memory_space<semaphore_mem>>) src(%dma_wait3A_165 : memref<100000x64xf32, #tpu.memory_space<hbm>>) dst(%dma_wait3A_159 : memref<128x64xf32, #tpu.memory_space<vmem>>)
      %dma_wait3A_166 = arith.constant 0 : i32
      %dma_wait3A_167 = arith.constant 0 : i32
      %dma_wait3A_168 = arith.constant 0 : i32
      %dma_wait3A_169 = tpu.memref_slice %arg16[%select_n3A_154, %dma_wait3A_167, %dma_wait3A_168] : memref<2x128x64xf32, #tpu.memory_space<vmem>> -> memref<1x128x64xf32, #tpu.memory_space<vmem>>
      %dma_wait3A_170 = tpu.memref_squeeze %dma_wait3A_169 : memref<1x128x64xf32, #tpu.memory_space<vmem>> -> memref<128x64xf32, #tpu.memory_space<vmem>>
      %dma_wait3A_171 = arith.constant 0 : i32
      %dma_wait3A_172 = tpu.memref_slice %arg13[%dma_wait3A_166, %dma_wait3A_171] : memref<50x128xi32, #tpu.memory_space<vmem>> -> memref<1x128xi32, #tpu.memory_space<vmem>>
      %dma_wait3A_173 = tpu.memref_squeeze %dma_wait3A_172 : memref<1x128xi32, #tpu.memory_space<vmem>> -> memref<128xi32, #tpu.memory_space<vmem>>
      %dma_wait3A_174 = arith.constant 0 : i32
      %dma_wait3A_175 = arith.constant 0 : i32
      %dma_wait3A_176 = tpu.memref_slice %arg7[%dma_wait3A_174, %dma_wait3A_175] : memref<1000000x64xf32, #tpu.memory_space<hbm>> -> memref<1000000x64xf32, #tpu.memory_space<hbm>>
      tpu.wait_indirect_dma semaphore(%arg20 : memref<!tpu.dma_semaphore, #tpu.memory_space<semaphore_mem>>) src(%dma_wait3A_176 : memref<1000000x64xf32, #tpu.memory_space<hbm>>) dst(%dma_wait3A_170 : memref<128x64xf32, #tpu.memory_space<vmem>>)
      %dma_wait3A_177 = arith.constant 0 : i32
      %dma_wait3A_178 = arith.constant 0 : i32
      %dma_wait3A_179 = arith.constant 0 : i32
      %dma_wait3A_180 = tpu.memref_slice %arg15[%select_n3A_154, %dma_wait3A_178, %dma_wait3A_179] : memref<2x128x64xf32, #tpu.memory_space<vmem>> -> memref<1x128x64xf32, #tpu.memory_space<vmem>>
      %dma_wait3A_181 = tpu.memref_squeeze %dma_wait3A_180 : memref<1x128x64xf32, #tpu.memory_space<vmem>> -> memref<128x64xf32, #tpu.memory_space<vmem>>
      %dma_wait3A_182 = arith.constant 0 : i32
      %dma_wait3A_183 = tpu.memref_slice %arg12[%dma_wait3A_177, %dma_wait3A_182] : memref<50x128xi32, #tpu.memory_space<vmem>> -> memref<1x128xi32, #tpu.memory_space<vmem>>
      %dma_wait3A_184 = tpu.memref_squeeze %dma_wait3A_183 : memref<1x128xi32, #tpu.memory_space<vmem>> -> memref<128xi32, #tpu.memory_space<vmem>>
      %dma_wait3A_185 = arith.constant 0 : i32
      %dma_wait3A_186 = arith.constant 0 : i32
      %dma_wait3A_187 = tpu.memref_slice %arg6[%dma_wait3A_185, %dma_wait3A_186] : memref<200x64xf32, #tpu.memory_space<hbm>> -> memref<200x64xf32, #tpu.memory_space<hbm>>
      tpu.wait_indirect_dma semaphore(%arg20 : memref<!tpu.dma_semaphore, #tpu.memory_space<semaphore_mem>>) src(%dma_wait3A_187 : memref<200x64xf32, #tpu.memory_space<hbm>>) dst(%dma_wait3A_181 : memref<128x64xf32, #tpu.memory_space<vmem>>)
      %add3A_188 = arith.constant 1 : i32
      %add3A_189 = arith.addi %scan3A_145, %add3A_188 : i32
      %lt3A_190 = arith.constant 50 : i32
      %lt3A_191 = arith.cmpi slt, %add3A_189, %lt3A_190 : i32
      %convert_element_type3A = arith.extui %lt3A_191 : i1 to i32
      %cond3A = arith.constant 0 : i32
      %cond3A_192 = arith.cmpi ne, %convert_element_type3A, %cond3A : i32
      scf.if %cond3A_192 {
        %add3A_220 = arith.constant 1 : i32
        %add3A_221 = arith.addi %scan3A_145, %add3A_220 : i32
        %add3A_222 = arith.constant 1 : i32
        %add3A_223 = arith.addi %scan3A_145, %add3A_222 : i32
        %jit3A_224 = arith.constant 2 : i32
        %eq3A_225 = arith.constant 0 : i32
        %eq3A_226 = arith.cmpi eq, %jit3A_224, %eq3A_225 : i32
        %jit3A_227 = arith.constant 1 : i32
        %select_n3A_228 = arith.select %eq3A_226, %jit3A_227, %jit3A_224 : i32
        %rem3A_229 = arith.remsi %add3A_223, %select_n3A_228 : i32
        %ne3A_230 = arith.constant 0 : i32
        %ne3A_231 = arith.cmpi ne, %rem3A_229, %ne3A_230 : i32
        %lt3A_232 = arith.constant 0 : i32
        %lt3A_233 = arith.cmpi slt, %rem3A_229, %lt3A_232 : i32
        %lt3A_234 = arith.constant 0 : i32
        %lt3A_235 = arith.cmpi slt, %select_n3A_228, %lt3A_234 : i32
        %ne3A_236 = arith.xori %lt3A_233, %lt3A_235 : i1
        %and3A_237 = arith.andi %ne3A_236, %ne3A_231 : i1
        %add3A_238 = arith.addi %rem3A_229, %select_n3A_228 : i32
        %select_n3A_239 = arith.select %and3A_237, %add3A_238, %rem3A_229 : i32
        %dma_start3A_240 = arith.constant 0 : i32
        %dma_start3A_241 = arith.constant 0 : i32
        %dma_start3A_242 = tpu.memref_slice %arg14[%select_n3A_239, %dma_start3A_240, %dma_start3A_241] : memref<2x128x64xf32, #tpu.memory_space<vmem>> -> memref<1x128x64xf32, #tpu.memory_space<vmem>>
        %dma_start3A_243 = tpu.memref_squeeze %dma_start3A_242 : memref<1x128x64xf32, #tpu.memory_space<vmem>> -> memref<128x64xf32, #tpu.memory_space<vmem>>
        %dma_start3A_244 = arith.constant 0 : i32
        %dma_start3A_245 = tpu.memref_slice %arg11[%add3A_221, %dma_start3A_244] : memref<50x128xi32, #tpu.memory_space<vmem>> -> memref<1x128xi32, #tpu.memory_space<vmem>>
        %dma_start3A_246 = tpu.memref_squeeze %dma_start3A_245 : memref<1x128xi32, #tpu.memory_space<vmem>> -> memref<128xi32, #tpu.memory_space<vmem>>
        %dma_start3A_247 = arith.constant 0 : i32
        %dma_start3A_248 = arith.constant 0 : i32
        %dma_start3A_249 = tpu.memref_slice %arg5[%dma_start3A_247, %dma_start3A_248] : memref<100000x64xf32, #tpu.memory_space<hbm>> -> memref<100000x64xf32, #tpu.memory_space<hbm>>
        tpu.enqueue_indirect_dma source(%dma_start3A_249 : memref<100000x64xf32, #tpu.memory_space<hbm>>) target(%dma_start3A_243 : memref<128x64xf32, #tpu.memory_space<vmem>>) offsets(%dma_start3A_246 : memref<128xi32, #tpu.memory_space<vmem>>) semaphore(%arg20 : memref<!tpu.dma_semaphore, #tpu.memory_space<semaphore_mem>>)
        %dma_start3A_250 = arith.constant 0 : i32
        %dma_start3A_251 = arith.constant 0 : i32
        %dma_start3A_252 = tpu.memref_slice %arg16[%select_n3A_239, %dma_start3A_250, %dma_start3A_251] : memref<2x128x64xf32, #tpu.memory_space<vmem>> -> memref<1x128x64xf32, #tpu.memory_space<vmem>>
        %dma_start3A_253 = tpu.memref_squeeze %dma_start3A_252 : memref<1x128x64xf32, #tpu.memory_space<vmem>> -> memref<128x64xf32, #tpu.memory_space<vmem>>
        %dma_start3A_254 = arith.constant 0 : i32
        %dma_start3A_255 = tpu.memref_slice %arg13[%add3A_221, %dma_start3A_254] : memref<50x128xi32, #tpu.memory_space<vmem>> -> memref<1x128xi32, #tpu.memory_space<vmem>>
        %dma_start3A_256 = tpu.memref_squeeze %dma_start3A_255 : memref<1x128xi32, #tpu.memory_space<vmem>> -> memref<128xi32, #tpu.memory_space<vmem>>
        %dma_start3A_257 = arith.constant 0 : i32
        %dma_start3A_258 = arith.constant 0 : i32
        %dma_start3A_259 = tpu.memref_slice %arg7[%dma_start3A_257, %dma_start3A_258] : memref<1000000x64xf32, #tpu.memory_space<hbm>> -> memref<1000000x64xf32, #tpu.memory_space<hbm>>
        tpu.enqueue_indirect_dma source(%dma_start3A_259 : memref<1000000x64xf32, #tpu.memory_space<hbm>>) target(%dma_start3A_253 : memref<128x64xf32, #tpu.memory_space<vmem>>) offsets(%dma_start3A_256 : memref<128xi32, #tpu.memory_space<vmem>>) semaphore(%arg20 : memref<!tpu.dma_semaphore, #tpu.memory_space<semaphore_mem>>)
        %dma_start3A_260 = arith.constant 0 : i32
        %dma_start3A_261 = arith.constant 0 : i32
        %dma_start3A_262 = tpu.memref_slice %arg15[%select_n3A_239, %dma_start3A_260, %dma_start3A_261] : memref<2x128x64xf32, #tpu.memory_space<vmem>> -> memref<1x128x64xf32, #tpu.memory_space<vmem>>
        %dma_start3A_263 = tpu.memref_squeeze %dma_start3A_262 : memref<1x128x64xf32, #tpu.memory_space<vmem>> -> memref<128x64xf32, #tpu.memory_space<vmem>>
        %dma_start3A_264 = arith.constant 0 : i32
        %dma_start3A_265 = tpu.memref_slice %arg12[%add3A_221, %dma_start3A_264] : memref<50x128xi32, #tpu.memory_space<vmem>> -> memref<1x128xi32, #tpu.memory_space<vmem>>
        %dma_start3A_266 = tpu.memref_squeeze %dma_start3A_265 : memref<1x128xi32, #tpu.memory_space<vmem>> -> memref<128xi32, #tpu.memory_space<vmem>>
        %dma_start3A_267 = arith.constant 0 : i32
        %dma_start3A_268 = arith.constant 0 : i32
        %dma_start3A_269 = tpu.memref_slice %arg6[%dma_start3A_267, %dma_start3A_268] : memref<200x64xf32, #tpu.memory_space<hbm>> -> memref<200x64xf32, #tpu.memory_space<hbm>>
        tpu.enqueue_indirect_dma source(%dma_start3A_269 : memref<200x64xf32, #tpu.memory_space<hbm>>) target(%dma_start3A_263 : memref<128x64xf32, #tpu.memory_space<vmem>>) offsets(%dma_start3A_266 : memref<128xi32, #tpu.memory_space<vmem>>) semaphore(%arg20 : memref<!tpu.dma_semaphore, #tpu.memory_space<semaphore_mem>>)
      } else {
      }
      %mul3A_193 = arith.constant 6400 : i32
      %mul3A_194 = arith.muli %add3A, %mul3A_193 : i32
      %mul3A_195 = arith.constant 128 : i32
      %mul3A_196 = arith.muli %scan3A_145, %mul3A_195 : i32
      %add3A_197 = arith.addi %mul3A_194, %mul3A_196 : i32
      %ge3A = arith.constant 2 : i32
      %ge3A_198 = arith.cmpi sge, %scan3A_145, %ge3A : i32
      %convert_element_type3A_199 = arith.extui %ge3A_198 : i1 to i32
      %cond3A_200 = arith.constant 0 : i32
      %cond3A_201 = arith.cmpi ne, %convert_element_type3A_199, %cond3A_200 : i32
      scf.if %cond3A_201 {
        %dma_wait3A_220 = arith.constant 0 : i32
        %dma_wait3A_221 = arith.constant 0 : i32
        %dma_wait3A_222 = tpu.memref_slice %arg17[%select_n3A_154, %dma_wait3A_220, %dma_wait3A_221] : memref<2x128x64xf32, #tpu.memory_space<vmem>> -> memref<1x128x64xf32, #tpu.memory_space<vmem>>
        %dma_wait3A_223 = tpu.memref_squeeze %dma_wait3A_222 : memref<1x128x64xf32, #tpu.memory_space<vmem>> -> memref<128x64xf32, #tpu.memory_space<vmem>>
        %dma_wait3A_224 = arith.constant 0 : i32
        %dma_wait3A_225 = tpu.memref_slice %arg10[%add3A_197, %dma_wait3A_224] : memref<204800x64xf32, #tpu.memory_space<hbm>> -> memref<128x64xf32, #tpu.memory_space<hbm>>
        %dma_wait3A_226 = arith.constant 0 : i32
        %dma_wait3A_227 = tpu.memref_slice %arg10[%add3A_197, %dma_wait3A_226] : memref<204800x64xf32, #tpu.memory_space<hbm>> -> memref<128x64xf32, #tpu.memory_space<hbm>>
        %dma_wait3A_228 = arith.constant 0 : i32
        %dma_wait3A_229 = arith.constant 0 : i32
        %dma_wait3A_230 = tpu.memref_slice %arg17[%select_n3A_154, %dma_wait3A_228, %dma_wait3A_229] : memref<2x128x64xf32, #tpu.memory_space<vmem>> -> memref<1x128x64xf32, #tpu.memory_space<vmem>>
        %dma_wait3A_231 = tpu.memref_squeeze %dma_wait3A_230 : memref<1x128x64xf32, #tpu.memory_space<vmem>> -> memref<128x64xf32, #tpu.memory_space<vmem>>
        tpu.wait_dma2 semaphore(%arg21 : memref<!tpu.dma_semaphore, #tpu.memory_space<semaphore_mem>>) src(%dma_wait3A_231 : memref<128x64xf32, #tpu.memory_space<vmem>>) dst(%dma_wait3A_227 : memref<128x64xf32, #tpu.memory_space<hbm>>)
      } else {
      }
      %scan3A_202 = arith.constant 0 : i32
      %scan3A_203 = arith.constant 0 : i32
      %scan3A_204 = arith.constant 128 : i32
      %scan3A_205 = arith.addi %scan3A_203, %scan3A_204 : i32
      %scan3A_206 = arith.constant 4 : i32
      scf.for %scan3A_220 = %scan3A_203 to %scan3A_205 step %scan3A_206  : i32 {
        %get3A_221 = arith.constant 0 : i32
        %get3A_222 = arith.constant 0 : i32
        %get3A_223 = tpu.memref_slice %arg14[%select_n3A_154, %get3A_221, %get3A_222] : memref<2x128x64xf32, #tpu.memory_space<vmem>> -> memref<1x128x64xf32, #tpu.memory_space<vmem>>
        %get3A_224 = tpu.memref_squeeze %get3A_223 : memref<1x128x64xf32, #tpu.memory_space<vmem>> -> memref<128x64xf32, #tpu.memory_space<vmem>>
        %get3A_225 = arith.index_cast %scan3A_220 : i32 to index
        %get3A_226 = arith.constant 0 : index
        %get3A_227 = tpu.vector_load %get3A_224[%get3A_225, %get3A_226] {strides = array<i32>} : memref<128x64xf32, #tpu.memory_space<vmem>>, vector<1x16xf32>,
        %get3A_228 = vector.shape_cast %get3A_227 : vector<1x16xf32> to vector<16xf32>
        %mul3A_229 = arith.mulf %get3A_228, %get3A_4 : vector<16xf32>
        %get3A_230 = arith.constant 0 : i32
        %get3A_231 = arith.constant 0 : i32
        %get3A_232 = tpu.memref_slice %arg16[%select_n3A_154, %get3A_230, %get3A_231] : memref<2x128x64xf32, #tpu.memory_space<vmem>> -> memref<1x128x64xf32, #tpu.memory_space<vmem>>
        %get3A_233 = tpu.memref_squeeze %get3A_232 : memref<1x128x64xf32, #tpu.memory_space<vmem>> -> memref<128x64xf32, #tpu.memory_space<vmem>>
        %get3A_234 = arith.index_cast %scan3A_220 : i32 to index
        %get3A_235 = arith.constant 0 : index
        %get3A_236 = tpu.vector_load %get3A_233[%get3A_234, %get3A_235] {strides = array<i32>} : memref<128x64xf32, #tpu.memory_space<vmem>>, vector<1x16xf32>,
        %get3A_237 = vector.shape_cast %get3A_236 : vector<1x16xf32> to vector<16xf32>
        %mul3A_238 = arith.mulf %get3A_237, %get3A_24 : vector<16xf32>
        %add3A_239 = arith.addf %mul3A_229, %mul3A_238 : vector<16xf32>
        %get3A_240 = arith.constant 0 : i32
        %get3A_241 = arith.constant 0 : i32
        %get3A_242 = tpu.memref_slice %arg15[%select_n3A_154, %get3A_240, %get3A_241] : memref<2x128x64xf32, #tpu.memory_space<vmem>> -> memref<1x128x64xf32, #tpu.memory_space<vmem>>
        %get3A_243 = tpu.memref_squeeze %get3A_242 : memref<1x128x64xf32, #tpu.memory_space<vmem>> -> memref<128x64xf32, #tpu.memory_space<vmem>>
        %get3A_244 = arith.index_cast %scan3A_220 : i32 to index
        %get3A_245 = arith.constant 0 : index
        %get3A_246 = tpu.vector_load %get3A_243[%get3A_244, %get3A_245] {strides = array<i32>} : memref<128x64xf32, #tpu.memory_space<vmem>>, vector<1x16xf32>,
        %get3A_247 = vector.shape_cast %get3A_246 : vector<1x16xf32> to vector<16xf32>
        %mul3A_248 = arith.mulf %get3A_247, %get3A_44 : vector<16xf32>
        %add3A_249 = arith.addf %add3A_239, %mul3A_248 : vector<16xf32>
        %add3A_250 = arith.addf %add3A_249, %get3A_62 : vector<16xf32>
        %swap3A = arith.constant 0 : i32
        %swap3A_251 = arith.constant 0 : i32
        %swap3A_252 = tpu.memref_slice %arg17[%select_n3A_154, %swap3A, %swap3A_251] : memref<2x128x64xf32, #tpu.memory_space<vmem>> -> memref<1x128x64xf32, #tpu.memory_space<vmem>>
        %swap3A_253 = tpu.memref_squeeze %swap3A_252 : memref<1x128x64xf32, #tpu.memory_space<vmem>> -> memref<128x64xf32, #tpu.memory_space<vmem>>
        %swap3A_254 = arith.index_cast %scan3A_220 : i32 to index
        %swap3A_255 = arith.constant 0 : index
        %swap3A_256 = tpu.vector_load %swap3A_253[%swap3A_254, %swap3A_255] {strides = array<i32>} : memref<128x64xf32, #tpu.memory_space<vmem>>, vector<1x16xf32>,
        %swap3A_257 = vector.shape_cast %swap3A_256 : vector<1x16xf32> to vector<16xf32>
        %swap3A_258 = vector.shape_cast %add3A_250 : vector<16xf32> to vector<1x16xf32>
        tpu.vector_store %swap3A_253[%swap3A_254, %swap3A_255], %swap3A_258 {strides = array<i32>} : memref<128x64xf32, #tpu.memory_space<vmem>>, vector<1x16xf32>,
        %get3A_259 = arith.constant 0 : i32
        %get3A_260 = arith.constant 0 : i32
        %get3A_261 = tpu.memref_slice %arg14[%select_n3A_154, %get3A_259, %get3A_260] : memref<2x128x64xf32, #tpu.memory_space<vmem>> -> memref<1x128x64xf32, #tpu.memory_space<vmem>>
        %get3A_262 = tpu.memref_squeeze %get3A_261 : memref<1x128x64xf32, #tpu.memory_space<vmem>> -> memref<128x64xf32, #tpu.memory_space<vmem>>
        %get3A_263 = arith.index_cast %scan3A_220 : i32 to index
        %get3A_264 = arith.constant 16 : index
        %get3A_265 = tpu.vector_load %get3A_262[%get3A_263, %get3A_264] {strides = array<i32>} : memref<128x64xf32, #tpu.memory_space<vmem>>, vector<1x16xf32>,
        %get3A_266 = vector.shape_cast %get3A_265 : vector<1x16xf32> to vector<16xf32>
        %mul3A_267 = arith.mulf %get3A_266, %get3A_9 : vector<16xf32>
        %get3A_268 = arith.constant 0 : i32
        %get3A_269 = arith.constant 0 : i32
        %get3A_270 = tpu.memref_slice %arg16[%select_n3A_154, %get3A_268, %get3A_269] : memref<2x128x64xf32, #tpu.memory_space<vmem>> -> memref<1x128x64xf32, #tpu.memory_space<vmem>>
        %get3A_271 = tpu.memref_squeeze %get3A_270 : memref<1x128x64xf32, #tpu.memory_space<vmem>> -> memref<128x64xf32, #tpu.memory_space<vmem>>
        %get3A_272 = arith.index_cast %scan3A_220 : i32 to index
        %get3A_273 = arith.constant 16 : index
        %get3A_274 = tpu.vector_load %get3A_271[%get3A_272, %get3A_273] {strides = array<i32>} : memref<128x64xf32, #tpu.memory_space<vmem>>, vector<1x16xf32>,
        %get3A_275 = vector.shape_cast %get3A_274 : vector<1x16xf32> to vector<16xf32>
        %mul3A_276 = arith.mulf %get3A_275, %get3A_29 : vector<16xf32>
        %add3A_277 = arith.addf %mul3A_267, %mul3A_276 : vector<16xf32>
        %get3A_278 = arith.constant 0 : i32
        %get3A_279 = arith.constant 0 : i32
        %get3A_280 = tpu.memref_slice %arg15[%select_n3A_154, %get3A_278, %get3A_279] : memref<2x128x64xf32, #tpu.memory_space<vmem>> -> memref<1x128x64xf32, #tpu.memory_space<vmem>>
        %get3A_281 = tpu.memref_squeeze %get3A_280 : memref<1x128x64xf32, #tpu.memory_space<vmem>> -> memref<128x64xf32, #tpu.memory_space<vmem>>
        %get3A_282 = arith.index_cast %scan3A_220 : i32 to index
        %get3A_283 = arith.constant 16 : index
        %get3A_284 = tpu.vector_load %get3A_281[%get3A_282, %get3A_283] {strides = array<i32>} : memref<128x64xf32, #tpu.memory_space<vmem>>, vector<1x16xf32>,
        %get3A_285 = vector.shape_cast %get3A_284 : vector<1x16xf32> to vector<16xf32>
        %mul3A_286 = arith.mulf %get3A_285, %get3A_49 : vector<16xf32>
        %add3A_287 = arith.addf %add3A_277, %mul3A_286 : vector<16xf32>
        %add3A_288 = arith.addf %add3A_287, %get3A_65 : vector<16xf32>
        %swap3A_289 = arith.constant 0 : i32
        %swap3A_290 = arith.constant 0 : i32
        %swap3A_291 = tpu.memref_slice %arg17[%select_n3A_154, %swap3A_289, %swap3A_290] : memref<2x128x64xf32, #tpu.memory_space<vmem>> -> memref<1x128x64xf32, #tpu.memory_space<vmem>>
        %swap3A_292 = tpu.memref_squeeze %swap3A_291 : memref<1x128x64xf32, #tpu.memory_space<vmem>> -> memref<128x64xf32, #tpu.memory_space<vmem>>
        %swap3A_293 = arith.index_cast %scan3A_220 : i32 to index
        %swap3A_294 = arith.constant 16 : index
        %swap3A_295 = tpu.vector_load %swap3A_292[%swap3A_293, %swap3A_294] {strides = array<i32>} : memref<128x64xf32, #tpu.memory_space<vmem>>, vector<1x16xf32>,
        %swap3A_296 = vector.shape_cast %swap3A_295 : vector<1x16xf32> to vector<16xf32>
        %swap3A_297 = vector.shape_cast %add3A_288 : vector<16xf32> to vector<1x16xf32>
        tpu.vector_store %swap3A_292[%swap3A_293, %swap3A_294], %swap3A_297 {strides = array<i32>} : memref<128x64xf32, #tpu.memory_space<vmem>>, vector<1x16xf32>,
        %get3A_298 = arith.constant 0 : i32
        %get3A_299 = arith.constant 0 : i32
        %get3A_300 = tpu.memref_slice %arg14[%select_n3A_154, %get3A_298, %get3A_299] : memref<2x128x64xf32, #tpu.memory_space<vmem>> -> memref<1x128x64xf32, #tpu.memory_space<vmem>>
        %get3A_301 = tpu.memref_squeeze %get3A_300 : memref<1x128x64xf32, #tpu.memory_space<vmem>> -> memref<128x64xf32, #tpu.memory_space<vmem>>
        %get3A_302 = arith.index_cast %scan3A_220 : i32 to index
        %get3A_303 = arith.constant 32 : index
        %get3A_304 = tpu.vector_load %get3A_301[%get3A_302, %get3A_303] {strides = array<i32>} : memref<128x64xf32, #tpu.memory_space<vmem>>, vector<1x16xf32>,
        %get3A_305 = vector.shape_cast %get3A_304 : vector<1x16xf32> to vector<16xf32>
        %mul3A_306 = arith.mulf %get3A_305, %get3A_14 : vector<16xf32>
        %get3A_307 = arith.constant 0 : i32
        %get3A_308 = arith.constant 0 : i32
        %get3A_309 = tpu.memref_slice %arg16[%select_n3A_154, %get3A_307, %get3A_308] : memref<2x128x64xf32, #tpu.memory_space<vmem>> -> memref<1x128x64xf32, #tpu.memory_space<vmem>>
        %get3A_310 = tpu.memref_squeeze %get3A_309 : memref<1x128x64xf32, #tpu.memory_space<vmem>> -> memref<128x64xf32, #tpu.memory_space<vmem>>
        %get3A_311 = arith.index_cast %scan3A_220 : i32 to index
        %get3A_312 = arith.constant 32 : index
        %get3A_313 = tpu.vector_load %get3A_310[%get3A_311, %get3A_312] {strides = array<i32>} : memref<128x64xf32, #tpu.memory_space<vmem>>, vector<1x16xf32>,
        %get3A_314 = vector.shape_cast %get3A_313 : vector<1x16xf32> to vector<16xf32>
        %mul3A_315 = arith.mulf %get3A_314, %get3A_34 : vector<16xf32>
        %add3A_316 = arith.addf %mul3A_306, %mul3A_315 : vector<16xf32>
        %get3A_317 = arith.constant 0 : i32
        %get3A_318 = arith.constant 0 : i32
        %get3A_319 = tpu.memref_slice %arg15[%select_n3A_154, %get3A_317, %get3A_318] : memref<2x128x64xf32, #tpu.memory_space<vmem>> -> memref<1x128x64xf32, #tpu.memory_space<vmem>>
        %get3A_320 = tpu.memref_squeeze %get3A_319 : memref<1x128x64xf32, #tpu.memory_space<vmem>> -> memref<128x64xf32, #tpu.memory_space<vmem>>
        %get3A_321 = arith.index_cast %scan3A_220 : i32 to index
        %get3A_322 = arith.constant 32 : index
        %get3A_323 = tpu.vector_load %get3A_320[%get3A_321, %get3A_322] {strides = array<i32>} : memref<128x64xf32, #tpu.memory_space<vmem>>, vector<1x16xf32>,
        %get3A_324 = vector.shape_cast %get3A_323 : vector<1x16xf32> to vector<16xf32>
        %mul3A_325 = arith.mulf %get3A_324, %get3A_54 : vector<16xf32>
        %add3A_326 = arith.addf %add3A_316, %mul3A_325 : vector<16xf32>
        %add3A_327 = arith.addf %add3A_326, %get3A_68 : vector<16xf32>
        %swap3A_328 = arith.constant 0 : i32
        %swap3A_329 = arith.constant 0 : i32
        %swap3A_330 = tpu.memref_slice %arg17[%select_n3A_154, %swap3A_328, %swap3A_329] : memref<2x128x64xf32, #tpu.memory_space<vmem>> -> memref<1x128x64xf32, #tpu.memory_space<vmem>>
        %swap3A_331 = tpu.memref_squeeze %swap3A_330 : memref<1x128x64xf32, #tpu.memory_space<vmem>> -> memref<128x64xf32, #tpu.memory_space<vmem>>
        %swap3A_332 = arith.index_cast %scan3A_220 : i32 to index
        %swap3A_333 = arith.constant 32 : index
        %swap3A_334 = tpu.vector_load %swap3A_331[%swap3A_332, %swap3A_333] {strides = array<i32>} : memref<128x64xf32, #tpu.memory_space<vmem>>, vector<1x16xf32>,
        %swap3A_335 = vector.shape_cast %swap3A_334 : vector<1x16xf32> to vector<16xf32>
        %swap3A_336 = vector.shape_cast %add3A_327 : vector<16xf32> to vector<1x16xf32>
        tpu.vector_store %swap3A_331[%swap3A_332, %swap3A_333], %swap3A_336 {strides = array<i32>} : memref<128x64xf32, #tpu.memory_space<vmem>>, vector<1x16xf32>,
        %get3A_337 = arith.constant 0 : i32
        %get3A_338 = arith.constant 0 : i32
        %get3A_339 = tpu.memref_slice %arg14[%select_n3A_154, %get3A_337, %get3A_338] : memref<2x128x64xf32, #tpu.memory_space<vmem>> -> memref<1x128x64xf32, #tpu.memory_space<vmem>>
        %get3A_340 = tpu.memref_squeeze %get3A_339 : memref<1x128x64xf32, #tpu.memory_space<vmem>> -> memref<128x64xf32, #tpu.memory_space<vmem>>
        %get3A_341 = arith.index_cast %scan3A_220 : i32 to index
        %get3A_342 = arith.constant 48 : index
        %get3A_343 = tpu.vector_load %get3A_340[%get3A_341, %get3A_342] {strides = array<i32>} : memref<128x64xf32, #tpu.memory_space<vmem>>, vector<1x16xf32>,
        %get3A_344 = vector.shape_cast %get3A_343 : vector<1x16xf32> to vector<16xf32>
        %mul3A_345 = arith.mulf %get3A_344, %get3A_19 : vector<16xf32>
        %get3A_346 = arith.constant 0 : i32
        %get3A_347 = arith.constant 0 : i32
        %get3A_348 = tpu.memref_slice %arg16[%select_n3A_154, %get3A_346, %get3A_347] : memref<2x128x64xf32, #tpu.memory_space<vmem>> -> memref<1x128x64xf32, #tpu.memory_space<vmem>>
        %get3A_349 = tpu.memref_squeeze %get3A_348 : memref<1x128x64xf32, #tpu.memory_space<vmem>> -> memref<128x64xf32, #tpu.memory_space<vmem>>
        %get3A_350 = arith.index_cast %scan3A_220 : i32 to index
        %get3A_351 = arith.constant 48 : index
        %get3A_352 = tpu.vector_load %get3A_349[%get3A_350, %get3A_351] {strides = array<i32>} : memref<128x64xf32, #tpu.memory_space<vmem>>, vector<1x16xf32>,
        %get3A_353 = vector.shape_cast %get3A_352 : vector<1x16xf32> to vector<16xf32>
        %mul3A_354 = arith.mulf %get3A_353, %get3A_39 : vector<16xf32>
        %add3A_355 = arith.addf %mul3A_345, %mul3A_354 : vector<16xf32>
        %get3A_356 = arith.constant 0 : i32
        %get3A_357 = arith.constant 0 : i32
        %get3A_358 = tpu.memref_slice %arg15[%select_n3A_154, %get3A_356, %get3A_357] : memref<2x128x64xf32, #tpu.memory_space<vmem>> -> memref<1x128x64xf32, #tpu.memory_space<vmem>>
        %get3A_359 = tpu.memref_squeeze %get3A_358 : memref<1x128x64xf32, #tpu.memory_space<vmem>> -> memref<128x64xf32, #tpu.memory_space<vmem>>
        %get3A_360 = arith.index_cast %scan3A_220 : i32 to index
        %get3A_361 = arith.constant 48 : index
        %get3A_362 = tpu.vector_load %get3A_359[%get3A_360, %get3A_361] {strides = array<i32>} : memref<128x64xf32, #tpu.memory_space<vmem>>, vector<1x16xf32>,
        %get3A_363 = vector.shape_cast %get3A_362 : vector<1x16xf32> to vector<16xf32>
        %mul3A_364 = arith.mulf %get3A_363, %get3A_59 : vector<16xf32>
        %add3A_365 = arith.addf %add3A_355, %mul3A_364 : vector<16xf32>
        %add3A_366 = arith.addf %add3A_365, %get3A_71 : vector<16xf32>
        %swap3A_367 = arith.constant 0 : i32
        %swap3A_368 = arith.constant 0 : i32
        %swap3A_369 = tpu.memref_slice %arg17[%select_n3A_154, %swap3A_367, %swap3A_368] : memref<2x128x64xf32, #tpu.memory_space<vmem>> -> memref<1x128x64xf32, #tpu.memory_space<vmem>>
        %swap3A_370 = tpu.memref_squeeze %swap3A_369 : memref<1x128x64xf32, #tpu.memory_space<vmem>> -> memref<128x64xf32, #tpu.memory_space<vmem>>
        %swap3A_371 = arith.index_cast %scan3A_220 : i32 to index
        %swap3A_372 = arith.constant 48 : index
        %swap3A_373 = tpu.vector_load %swap3A_370[%swap3A_371, %swap3A_372] {strides = array<i32>} : memref<128x64xf32, #tpu.memory_space<vmem>>, vector<1x16xf32>,
        %swap3A_374 = vector.shape_cast %swap3A_373 : vector<1x16xf32> to vector<16xf32>
        %swap3A_375 = vector.shape_cast %add3A_366 : vector<16xf32> to vector<1x16xf32>
        tpu.vector_store %swap3A_370[%swap3A_371, %swap3A_372], %swap3A_375 {strides = array<i32>} : memref<128x64xf32, #tpu.memory_space<vmem>>, vector<1x16xf32>,
        %scan3A_376 = arith.constant 1 : i32
        %scan3A_377 = arith.addi %scan3A_220, %scan3A_376 : i32
        %get3A_378 = arith.constant 0 : i32
        %get3A_379 = arith.constant 0 : i32
        %get3A_380 = tpu.memref_slice %arg14[%select_n3A_154, %get3A_378, %get3A_379] : memref<2x128x64xf32, #tpu.memory_space<vmem>> -> memref<1x128x64xf32, #tpu.memory_space<vmem>>
        %get3A_381 = tpu.memref_squeeze %get3A_380 : memref<1x128x64xf32, #tpu.memory_space<vmem>> -> memref<128x64xf32, #tpu.memory_space<vmem>>
        %get3A_382 = arith.index_cast %scan3A_377 : i32 to index
        %get3A_383 = arith.constant 0 : index
        %get3A_384 = tpu.vector_load %get3A_381[%get3A_382, %get3A_383] {strides = array<i32>} : memref<128x64xf32, #tpu.memory_space<vmem>>, vector<1x16xf32>,
        %get3A_385 = vector.shape_cast %get3A_384 : vector<1x16xf32> to vector<16xf32>
        %mul3A_386 = arith.mulf %get3A_385, %get3A_4 : vector<16xf32>
        %get3A_387 = arith.constant 0 : i32
        %get3A_388 = arith.constant 0 : i32
        %get3A_389 = tpu.memref_slice %arg16[%select_n3A_154, %get3A_387, %get3A_388] : memref<2x128x64xf32, #tpu.memory_space<vmem>> -> memref<1x128x64xf32, #tpu.memory_space<vmem>>
        %get3A_390 = tpu.memref_squeeze %get3A_389 : memref<1x128x64xf32, #tpu.memory_space<vmem>> -> memref<128x64xf32, #tpu.memory_space<vmem>>
        %get3A_391 = arith.index_cast %scan3A_377 : i32 to index
        %get3A_392 = arith.constant 0 : index
        %get3A_393 = tpu.vector_load %get3A_390[%get3A_391, %get3A_392] {strides = array<i32>} : memref<128x64xf32, #tpu.memory_space<vmem>>, vector<1x16xf32>,
        %get3A_394 = vector.shape_cast %get3A_393 : vector<1x16xf32> to vector<16xf32>
        %mul3A_395 = arith.mulf %get3A_394, %get3A_24 : vector<16xf32>
        %add3A_396 = arith.addf %mul3A_386, %mul3A_395 : vector<16xf32>
        %get3A_397 = arith.constant 0 : i32
        %get3A_398 = arith.constant 0 : i32
        %get3A_399 = tpu.memref_slice %arg15[%select_n3A_154, %get3A_397, %get3A_398] : memref<2x128x64xf32, #tpu.memory_space<vmem>> -> memref<1x128x64xf32, #tpu.memory_space<vmem>>
        %get3A_400 = tpu.memref_squeeze %get3A_399 : memref<1x128x64xf32, #tpu.memory_space<vmem>> -> memref<128x64xf32, #tpu.memory_space<vmem>>
        %get3A_401 = arith.index_cast %scan3A_377 : i32 to index
        %get3A_402 = arith.constant 0 : index
        %get3A_403 = tpu.vector_load %get3A_400[%get3A_401, %get3A_402] {strides = array<i32>} : memref<128x64xf32, #tpu.memory_space<vmem>>, vector<1x16xf32>,
        %get3A_404 = vector.shape_cast %get3A_403 : vector<1x16xf32> to vector<16xf32>
        %mul3A_405 = arith.mulf %get3A_404, %get3A_44 : vector<16xf32>
        %add3A_406 = arith.addf %add3A_396, %mul3A_405 : vector<16xf32>
        %add3A_407 = arith.addf %add3A_406, %get3A_62 : vector<16xf32>
        %swap3A_408 = arith.constant 0 : i32
        %swap3A_409 = arith.constant 0 : i32
        %swap3A_410 = tpu.memref_slice %arg17[%select_n3A_154, %swap3A_408, %swap3A_409] : memref<2x128x64xf32, #tpu.memory_space<vmem>> -> memref<1x128x64xf32, #tpu.memory_space<vmem>>
        %swap3A_411 = tpu.memref_squeeze %swap3A_410 : memref<1x128x64xf32, #tpu.memory_space<vmem>> -> memref<128x64xf32, #tpu.memory_space<vmem>>
        %swap3A_412 = arith.index_cast %scan3A_377 : i32 to index
        %swap3A_413 = arith.constant 0 : index
        %swap3A_414 = tpu.vector_load %swap3A_411[%swap3A_412, %swap3A_413] {strides = array<i32>} : memref<128x64xf32, #tpu.memory_space<vmem>>, vector<1x16xf32>,
        %swap3A_415 = vector.shape_cast %swap3A_414 : vector<1x16xf32> to vector<16xf32>
        %swap3A_416 = vector.shape_cast %add3A_407 : vector<16xf32> to vector<1x16xf32>
        tpu.vector_store %swap3A_411[%swap3A_412, %swap3A_413], %swap3A_416 {strides = array<i32>} : memref<128x64xf32, #tpu.memory_space<vmem>>, vector<1x16xf32>,
        %get3A_417 = arith.constant 0 : i32
        %get3A_418 = arith.constant 0 : i32
        %get3A_419 = tpu.memref_slice %arg14[%select_n3A_154, %get3A_417, %get3A_418] : memref<2x128x64xf32, #tpu.memory_space<vmem>> -> memref<1x128x64xf32, #tpu.memory_space<vmem>>
        %get3A_420 = tpu.memref_squeeze %get3A_419 : memref<1x128x64xf32, #tpu.memory_space<vmem>> -> memref<128x64xf32, #tpu.memory_space<vmem>>
        %get3A_421 = arith.index_cast %scan3A_377 : i32 to index
        %get3A_422 = arith.constant 16 : index
        %get3A_423 = tpu.vector_load %get3A_420[%get3A_421, %get3A_422] {strides = array<i32>} : memref<128x64xf32, #tpu.memory_space<vmem>>, vector<1x16xf32>,
        %get3A_424 = vector.shape_cast %get3A_423 : vector<1x16xf32> to vector<16xf32>
        %mul3A_425 = arith.mulf %get3A_424, %get3A_9 : vector<16xf32>
        %get3A_426 = arith.constant 0 : i32
        %get3A_427 = arith.constant 0 : i32
        %get3A_428 = tpu.memref_slice %arg16[%select_n3A_154, %get3A_426, %get3A_427] : memref<2x128x64xf32, #tpu.memory_space<vmem>> -> memref<1x128x64xf32, #tpu.memory_space<vmem>>
        %get3A_429 = tpu.memref_squeeze %get3A_428 : memref<1x128x64xf32, #tpu.memory_space<vmem>> -> memref<128x64xf32, #tpu.memory_space<vmem>>
        %get3A_430 = arith.index_cast %scan3A_377 : i32 to index
        %get3A_431 = arith.constant 16 : index
        %get3A_432 = tpu.vector_load %get3A_429[%get3A_430, %get3A_431] {strides = array<i32>} : memref<128x64xf32, #tpu.memory_space<vmem>>, vector<1x16xf32>,
        %get3A_433 = vector.shape_cast %get3A_432 : vector<1x16xf32> to vector<16xf32>
        %mul3A_434 = arith.mulf %get3A_433, %get3A_29 : vector<16xf32>
        %add3A_435 = arith.addf %mul3A_425, %mul3A_434 : vector<16xf32>
        %get3A_436 = arith.constant 0 : i32
        %get3A_437 = arith.constant 0 : i32
        %get3A_438 = tpu.memref_slice %arg15[%select_n3A_154, %get3A_436, %get3A_437] : memref<2x128x64xf32, #tpu.memory_space<vmem>> -> memref<1x128x64xf32, #tpu.memory_space<vmem>>
        %get3A_439 = tpu.memref_squeeze %get3A_438 : memref<1x128x64xf32, #tpu.memory_space<vmem>> -> memref<128x64xf32, #tpu.memory_space<vmem>>
        %get3A_440 = arith.index_cast %scan3A_377 : i32 to index
        %get3A_441 = arith.constant 16 : index
        %get3A_442 = tpu.vector_load %get3A_439[%get3A_440, %get3A_441] {strides = array<i32>} : memref<128x64xf32, #tpu.memory_space<vmem>>, vector<1x16xf32>,
        %get3A_443 = vector.shape_cast %get3A_442 : vector<1x16xf32> to vector<16xf32>
        %mul3A_444 = arith.mulf %get3A_443, %get3A_49 : vector<16xf32>
        %add3A_445 = arith.addf %add3A_435, %mul3A_444 : vector<16xf32>
        %add3A_446 = arith.addf %add3A_445, %get3A_65 : vector<16xf32>
        %swap3A_447 = arith.constant 0 : i32
        %swap3A_448 = arith.constant 0 : i32
        %swap3A_449 = tpu.memref_slice %arg17[%select_n3A_154, %swap3A_447, %swap3A_448] : memref<2x128x64xf32, #tpu.memory_space<vmem>> -> memref<1x128x64xf32, #tpu.memory_space<vmem>>
        %swap3A_450 = tpu.memref_squeeze %swap3A_449 : memref<1x128x64xf32, #tpu.memory_space<vmem>> -> memref<128x64xf32, #tpu.memory_space<vmem>>
        %swap3A_451 = arith.index_cast %scan3A_377 : i32 to index
        %swap3A_452 = arith.constant 16 : index
        %swap3A_453 = tpu.vector_load %swap3A_450[%swap3A_451, %swap3A_452] {strides = array<i32>} : memref<128x64xf32, #tpu.memory_space<vmem>>, vector<1x16xf32>,
        %swap3A_454 = vector.shape_cast %swap3A_453 : vector<1x16xf32> to vector<16xf32>
        %swap3A_455 = vector.shape_cast %add3A_446 : vector<16xf32> to vector<1x16xf32>
        tpu.vector_store %swap3A_450[%swap3A_451, %swap3A_452], %swap3A_455 {strides = array<i32>} : memref<128x64xf32, #tpu.memory_space<vmem>>, vector<1x16xf32>,
        %get3A_456 = arith.constant 0 : i32
        %get3A_457 = arith.constant 0 : i32
        %get3A_458 = tpu.memref_slice %arg14[%select_n3A_154, %get3A_456, %get3A_457] : memref<2x128x64xf32, #tpu.memory_space<vmem>> -> memref<1x128x64xf32, #tpu.memory_space<vmem>>
        %get3A_459 = tpu.memref_squeeze %get3A_458 : memref<1x128x64xf32, #tpu.memory_space<vmem>> -> memref<128x64xf32, #tpu.memory_space<vmem>>
        %get3A_460 = arith.index_cast %scan3A_377 : i32 to index
        %get3A_461 = arith.constant 32 : index
        %get3A_462 = tpu.vector_load %get3A_459[%get3A_460, %get3A_461] {strides = array<i32>} : memref<128x64xf32, #tpu.memory_space<vmem>>, vector<1x16xf32>,
        %get3A_463 = vector.shape_cast %get3A_462 : vector<1x16xf32> to vector<16xf32>
        %mul3A_464 = arith.mulf %get3A_463, %get3A_14 : vector<16xf32>
        %get3A_465 = arith.constant 0 : i32
        %get3A_466 = arith.constant 0 : i32
        %get3A_467 = tpu.memref_slice %arg16[%select_n3A_154, %get3A_465, %get3A_466] : memref<2x128x64xf32, #tpu.memory_space<vmem>> -> memref<1x128x64xf32, #tpu.memory_space<vmem>>
        %get3A_468 = tpu.memref_squeeze %get3A_467 : memref<1x128x64xf32, #tpu.memory_space<vmem>> -> memref<128x64xf32, #tpu.memory_space<vmem>>
        %get3A_469 = arith.index_cast %scan3A_377 : i32 to index
        %get3A_470 = arith.constant 32 : index
        %get3A_471 = tpu.vector_load %get3A_468[%get3A_469, %get3A_470] {strides = array<i32>} : memref<128x64xf32, #tpu.memory_space<vmem>>, vector<1x16xf32>,
        %get3A_472 = vector.shape_cast %get3A_471 : vector<1x16xf32> to vector<16xf32>
        %mul3A_473 = arith.mulf %get3A_472, %get3A_34 : vector<16xf32>
        %add3A_474 = arith.addf %mul3A_464, %mul3A_473 : vector<16xf32>
        %get3A_475 = arith.constant 0 : i32
        %get3A_476 = arith.constant 0 : i32
        %get3A_477 = tpu.memref_slice %arg15[%select_n3A_154, %get3A_475, %get3A_476] : memref<2x128x64xf32, #tpu.memory_space<vmem>> -> memref<1x128x64xf32, #tpu.memory_space<vmem>>
        %get3A_478 = tpu.memref_squeeze %get3A_477 : memref<1x128x64xf32, #tpu.memory_space<vmem>> -> memref<128x64xf32, #tpu.memory_space<vmem>>
        %get3A_479 = arith.index_cast %scan3A_377 : i32 to index
        %get3A_480 = arith.constant 32 : index
        %get3A_481 = tpu.vector_load %get3A_478[%get3A_479, %get3A_480] {strides = array<i32>} : memref<128x64xf32, #tpu.memory_space<vmem>>, vector<1x16xf32>,
        %get3A_482 = vector.shape_cast %get3A_481 : vector<1x16xf32> to vector<16xf32>
        %mul3A_483 = arith.mulf %get3A_482, %get3A_54 : vector<16xf32>
        %add3A_484 = arith.addf %add3A_474, %mul3A_483 : vector<16xf32>
        %add3A_485 = arith.addf %add3A_484, %get3A_68 : vector<16xf32>
        %swap3A_486 = arith.constant 0 : i32
        %swap3A_487 = arith.constant 0 : i32
        %swap3A_488 = tpu.memref_slice %arg17[%select_n3A_154, %swap3A_486, %swap3A_487] : memref<2x128x64xf32, #tpu.memory_space<vmem>> -> memref<1x128x64xf32, #tpu.memory_space<vmem>>
        %swap3A_489 = tpu.memref_squeeze %swap3A_488 : memref<1x128x64xf32, #tpu.memory_space<vmem>> -> memref<128x64xf32, #tpu.memory_space<vmem>>
        %swap3A_490 = arith.index_cast %scan3A_377 : i32 to index
        %swap3A_491 = arith.constant 32 : index
        %swap3A_492 = tpu.vector_load %swap3A_489[%swap3A_490, %swap3A_491] {strides = array<i32>} : memref<128x64xf32, #tpu.memory_space<vmem>>, vector<1x16xf32>,
        %swap3A_493 = vector.shape_cast %swap3A_492 : vector<1x16xf32> to vector<16xf32>
        %swap3A_494 = vector.shape_cast %add3A_485 : vector<16xf32> to vector<1x16xf32>
        tpu.vector_store %swap3A_489[%swap3A_490, %swap3A_491], %swap3A_494 {strides = array<i32>} : memref<128x64xf32, #tpu.memory_space<vmem>>, vector<1x16xf32>,
        %get3A_495 = arith.constant 0 : i32
        %get3A_496 = arith.constant 0 : i32
        %get3A_497 = tpu.memref_slice %arg14[%select_n3A_154, %get3A_495, %get3A_496] : memref<2x128x64xf32, #tpu.memory_space<vmem>> -> memref<1x128x64xf32, #tpu.memory_space<vmem>>
        %get3A_498 = tpu.memref_squeeze %get3A_497 : memref<1x128x64xf32, #tpu.memory_space<vmem>> -> memref<128x64xf32, #tpu.memory_space<vmem>>
        %get3A_499 = arith.index_cast %scan3A_377 : i32 to index
        %get3A_500 = arith.constant 48 : index
        %get3A_501 = tpu.vector_load %get3A_498[%get3A_499, %get3A_500] {strides = array<i32>} : memref<128x64xf32, #tpu.memory_space<vmem>>, vector<1x16xf32>,
        %get3A_502 = vector.shape_cast %get3A_501 : vector<1x16xf32> to vector<16xf32>
        %mul3A_503 = arith.mulf %get3A_502, %get3A_19 : vector<16xf32>
        %get3A_504 = arith.constant 0 : i32
        %get3A_505 = arith.constant 0 : i32
        %get3A_506 = tpu.memref_slice %arg16[%select_n3A_154, %get3A_504, %get3A_505] : memref<2x128x64xf32, #tpu.memory_space<vmem>> -> memref<1x128x64xf32, #tpu.memory_space<vmem>>
        %get3A_507 = tpu.memref_squeeze %get3A_506 : memref<1x128x64xf32, #tpu.memory_space<vmem>> -> memref<128x64xf32, #tpu.memory_space<vmem>>
        %get3A_508 = arith.index_cast %scan3A_377 : i32 to index
        %get3A_509 = arith.constant 48 : index
        %get3A_510 = tpu.vector_load %get3A_507[%get3A_508, %get3A_509] {strides = array<i32>} : memref<128x64xf32, #tpu.memory_space<vmem>>, vector<1x16xf32>,
        %get3A_511 = vector.shape_cast %get3A_510 : vector<1x16xf32> to vector<16xf32>
        %mul3A_512 = arith.mulf %get3A_511, %get3A_39 : vector<16xf32>
        %add3A_513 = arith.addf %mul3A_503, %mul3A_512 : vector<16xf32>
        %get3A_514 = arith.constant 0 : i32
        %get3A_515 = arith.constant 0 : i32
        %get3A_516 = tpu.memref_slice %arg15[%select_n3A_154, %get3A_514, %get3A_515] : memref<2x128x64xf32, #tpu.memory_space<vmem>> -> memref<1x128x64xf32, #tpu.memory_space<vmem>>
        %get3A_517 = tpu.memref_squeeze %get3A_516 : memref<1x128x64xf32, #tpu.memory_space<vmem>> -> memref<128x64xf32, #tpu.memory_space<vmem>>
        %get3A_518 = arith.index_cast %scan3A_377 : i32 to index
        %get3A_519 = arith.constant 48 : index
        %get3A_520 = tpu.vector_load %get3A_517[%get3A_518, %get3A_519] {strides = array<i32>} : memref<128x64xf32, #tpu.memory_space<vmem>>, vector<1x16xf32>,
        %get3A_521 = vector.shape_cast %get3A_520 : vector<1x16xf32> to vector<16xf32>
        %mul3A_522 = arith.mulf %get3A_521, %get3A_59 : vector<16xf32>
        %add3A_523 = arith.addf %add3A_513, %mul3A_522 : vector<16xf32>
        %add3A_524 = arith.addf %add3A_523, %get3A_71 : vector<16xf32>
        %swap3A_525 = arith.constant 0 : i32
        %swap3A_526 = arith.constant 0 : i32
        %swap3A_527 = tpu.memref_slice %arg17[%select_n3A_154, %swap3A_525, %swap3A_526] : memref<2x128x64xf32, #tpu.memory_space<vmem>> -> memref<1x128x64xf32, #tpu.memory_space<vmem>>
        %swap3A_528 = tpu.memref_squeeze %swap3A_527 : memref<1x128x64xf32, #tpu.memory_space<vmem>> -> memref<128x64xf32, #tpu.memory_space<vmem>>
        %swap3A_529 = arith.index_cast %scan3A_377 : i32 to index
        %swap3A_530 = arith.constant 48 : index
        %swap3A_531 = tpu.vector_load %swap3A_528[%swap3A_529, %swap3A_530] {strides = array<i32>} : memref<128x64xf32, #tpu.memory_space<vmem>>, vector<1x16xf32>,
        %swap3A_532 = vector.shape_cast %swap3A_531 : vector<1x16xf32> to vector<16xf32>
        %swap3A_533 = vector.shape_cast %add3A_524 : vector<16xf32> to vector<1x16xf32>
        tpu.vector_store %swap3A_528[%swap3A_529, %swap3A_530], %swap3A_533 {strides = array<i32>} : memref<128x64xf32, #tpu.memory_space<vmem>>, vector<1x16xf32>,
        %scan3A_534 = arith.constant 2 : i32
        %scan3A_535 = arith.addi %scan3A_220, %scan3A_534 : i32
        %get3A_536 = arith.constant 0 : i32
        %get3A_537 = arith.constant 0 : i32
        %get3A_538 = tpu.memref_slice %arg14[%select_n3A_154, %get3A_536, %get3A_537] : memref<2x128x64xf32, #tpu.memory_space<vmem>> -> memref<1x128x64xf32, #tpu.memory_space<vmem>>
        %get3A_539 = tpu.memref_squeeze %get3A_538 : memref<1x128x64xf32, #tpu.memory_space<vmem>> -> memref<128x64xf32, #tpu.memory_space<vmem>>
        %get3A_540 = arith.index_cast %scan3A_535 : i32 to index
        %get3A_541 = arith.constant 0 : index
        %get3A_542 = tpu.vector_load %get3A_539[%get3A_540, %get3A_541] {strides = array<i32>} : memref<128x64xf32, #tpu.memory_space<vmem>>, vector<1x16xf32>,
        %get3A_543 = vector.shape_cast %get3A_542 : vector<1x16xf32> to vector<16xf32>
        %mul3A_544 = arith.mulf %get3A_543, %get3A_4 : vector<16xf32>
        %get3A_545 = arith.constant 0 : i32
        %get3A_546 = arith.constant 0 : i32
        %get3A_547 = tpu.memref_slice %arg16[%select_n3A_154, %get3A_545, %get3A_546] : memref<2x128x64xf32, #tpu.memory_space<vmem>> -> memref<1x128x64xf32, #tpu.memory_space<vmem>>
        %get3A_548 = tpu.memref_squeeze %get3A_547 : memref<1x128x64xf32, #tpu.memory_space<vmem>> -> memref<128x64xf32, #tpu.memory_space<vmem>>
        %get3A_549 = arith.index_cast %scan3A_535 : i32 to index
        %get3A_550 = arith.constant 0 : index
        %get3A_551 = tpu.vector_load %get3A_548[%get3A_549, %get3A_550] {strides = array<i32>} : memref<128x64xf32, #tpu.memory_space<vmem>>, vector<1x16xf32>,
        %get3A_552 = vector.shape_cast %get3A_551 : vector<1x16xf32> to vector<16xf32>
        %mul3A_553 = arith.mulf %get3A_552, %get3A_24 : vector<16xf32>
        %add3A_554 = arith.addf %mul3A_544, %mul3A_553 : vector<16xf32>
        %get3A_555 = arith.constant 0 : i32
        %get3A_556 = arith.constant 0 : i32
        %get3A_557 = tpu.memref_slice %arg15[%select_n3A_154, %get3A_555, %get3A_556] : memref<2x128x64xf32, #tpu.memory_space<vmem>> -> memref<1x128x64xf32, #tpu.memory_space<vmem>>
        %get3A_558 = tpu.memref_squeeze %get3A_557 : memref<1x128x64xf32, #tpu.memory_space<vmem>> -> memref<128x64xf32, #tpu.memory_space<vmem>>
        %get3A_559 = arith.index_cast %scan3A_535 : i32 to index
        %get3A_560 = arith.constant 0 : index
        %get3A_561 = tpu.vector_load %get3A_558[%get3A_559, %get3A_560] {strides = array<i32>} : memref<128x64xf32, #tpu.memory_space<vmem>>, vector<1x16xf32>,
        %get3A_562 = vector.shape_cast %get3A_561 : vector<1x16xf32> to vector<16xf32>
        %mul3A_563 = arith.mulf %get3A_562, %get3A_44 : vector<16xf32>
        %add3A_564 = arith.addf %add3A_554, %mul3A_563 : vector<16xf32>
        %add3A_565 = arith.addf %add3A_564, %get3A_62 : vector<16xf32>
        %swap3A_566 = arith.constant 0 : i32
        %swap3A_567 = arith.constant 0 : i32
        %swap3A_568 = tpu.memref_slice %arg17[%select_n3A_154, %swap3A_566, %swap3A_567] : memref<2x128x64xf32, #tpu.memory_space<vmem>> -> memref<1x128x64xf32, #tpu.memory_space<vmem>>
        %swap3A_569 = tpu.memref_squeeze %swap3A_568 : memref<1x128x64xf32, #tpu.memory_space<vmem>> -> memref<128x64xf32, #tpu.memory_space<vmem>>
        %swap3A_570 = arith.index_cast %scan3A_535 : i32 to index
        %swap3A_571 = arith.constant 0 : index
        %swap3A_572 = tpu.vector_load %swap3A_569[%swap3A_570, %swap3A_571] {strides = array<i32>} : memref<128x64xf32, #tpu.memory_space<vmem>>, vector<1x16xf32>,
        %swap3A_573 = vector.shape_cast %swap3A_572 : vector<1x16xf32> to vector<16xf32>
        %swap3A_574 = vector.shape_cast %add3A_565 : vector<16xf32> to vector<1x16xf32>
        tpu.vector_store %swap3A_569[%swap3A_570, %swap3A_571], %swap3A_574 {strides = array<i32>} : memref<128x64xf32, #tpu.memory_space<vmem>>, vector<1x16xf32>,
        %get3A_575 = arith.constant 0 : i32
        %get3A_576 = arith.constant 0 : i32
        %get3A_577 = tpu.memref_slice %arg14[%select_n3A_154, %get3A_575, %get3A_576] : memref<2x128x64xf32, #tpu.memory_space<vmem>> -> memref<1x128x64xf32, #tpu.memory_space<vmem>>
        %get3A_578 = tpu.memref_squeeze %get3A_577 : memref<1x128x64xf32, #tpu.memory_space<vmem>> -> memref<128x64xf32, #tpu.memory_space<vmem>>
        %get3A_579 = arith.index_cast %scan3A_535 : i32 to index
        %get3A_580 = arith.constant 16 : index
        %get3A_581 = tpu.vector_load %get3A_578[%get3A_579, %get3A_580] {strides = array<i32>} : memref<128x64xf32, #tpu.memory_space<vmem>>, vector<1x16xf32>,
        %get3A_582 = vector.shape_cast %get3A_581 : vector<1x16xf32> to vector<16xf32>
        %mul3A_583 = arith.mulf %get3A_582, %get3A_9 : vector<16xf32>
        %get3A_584 = arith.constant 0 : i32
        %get3A_585 = arith.constant 0 : i32
        %get3A_586 = tpu.memref_slice %arg16[%select_n3A_154, %get3A_584, %get3A_585] : memref<2x128x64xf32, #tpu.memory_space<vmem>> -> memref<1x128x64xf32, #tpu.memory_space<vmem>>
        %get3A_587 = tpu.memref_squeeze %get3A_586 : memref<1x128x64xf32, #tpu.memory_space<vmem>> -> memref<128x64xf32, #tpu.memory_space<vmem>>
        %get3A_588 = arith.index_cast %scan3A_535 : i32 to index
        %get3A_589 = arith.constant 16 : index
        %get3A_590 = tpu.vector_load %get3A_587[%get3A_588, %get3A_589] {strides = array<i32>} : memref<128x64xf32, #tpu.memory_space<vmem>>, vector<1x16xf32>,
        %get3A_591 = vector.shape_cast %get3A_590 : vector<1x16xf32> to vector<16xf32>
        %mul3A_592 = arith.mulf %get3A_591, %get3A_29 : vector<16xf32>
        %add3A_593 = arith.addf %mul3A_583, %mul3A_592 : vector<16xf32>
        %get3A_594 = arith.constant 0 : i32
        %get3A_595 = arith.constant 0 : i32
        %get3A_596 = tpu.memref_slice %arg15[%select_n3A_154, %get3A_594, %get3A_595] : memref<2x128x64xf32, #tpu.memory_space<vmem>> -> memref<1x128x64xf32, #tpu.memory_space<vmem>>
        %get3A_597 = tpu.memref_squeeze %get3A_596 : memref<1x128x64xf32, #tpu.memory_space<vmem>> -> memref<128x64xf32, #tpu.memory_space<vmem>>
        %get3A_598 = arith.index_cast %scan3A_535 : i32 to index
        %get3A_599 = arith.constant 16 : index
        %get3A_600 = tpu.vector_load %get3A_597[%get3A_598, %get3A_599] {strides = array<i32>} : memref<128x64xf32, #tpu.memory_space<vmem>>, vector<1x16xf32>,
        %get3A_601 = vector.shape_cast %get3A_600 : vector<1x16xf32> to vector<16xf32>
        %mul3A_602 = arith.mulf %get3A_601, %get3A_49 : vector<16xf32>
        %add3A_603 = arith.addf %add3A_593, %mul3A_602 : vector<16xf32>
        %add3A_604 = arith.addf %add3A_603, %get3A_65 : vector<16xf32>
        %swap3A_605 = arith.constant 0 : i32
        %swap3A_606 = arith.constant 0 : i32
        %swap3A_607 = tpu.memref_slice %arg17[%select_n3A_154, %swap3A_605, %swap3A_606] : memref<2x128x64xf32, #tpu.memory_space<vmem>> -> memref<1x128x64xf32, #tpu.memory_space<vmem>>
        %swap3A_608 = tpu.memref_squeeze %swap3A_607 : memref<1x128x64xf32, #tpu.memory_space<vmem>> -> memref<128x64xf32, #tpu.memory_space<vmem>>
        %swap3A_609 = arith.index_cast %scan3A_535 : i32 to index
        %swap3A_610 = arith.constant 16 : index
        %swap3A_611 = tpu.vector_load %swap3A_608[%swap3A_609, %swap3A_610] {strides = array<i32>} : memref<128x64xf32, #tpu.memory_space<vmem>>, vector<1x16xf32>,
        %swap3A_612 = vector.shape_cast %swap3A_611 : vector<1x16xf32> to vector<16xf32>
        %swap3A_613 = vector.shape_cast %add3A_604 : vector<16xf32> to vector<1x16xf32>
        tpu.vector_store %swap3A_608[%swap3A_609, %swap3A_610], %swap3A_613 {strides = array<i32>} : memref<128x64xf32, #tpu.memory_space<vmem>>, vector<1x16xf32>,
        %get3A_614 = arith.constant 0 : i32
        %get3A_615 = arith.constant 0 : i32
        %get3A_616 = tpu.memref_slice %arg14[%select_n3A_154, %get3A_614, %get3A_615] : memref<2x128x64xf32, #tpu.memory_space<vmem>> -> memref<1x128x64xf32, #tpu.memory_space<vmem>>
        %get3A_617 = tpu.memref_squeeze %get3A_616 : memref<1x128x64xf32, #tpu.memory_space<vmem>> -> memref<128x64xf32, #tpu.memory_space<vmem>>
        %get3A_618 = arith.index_cast %scan3A_535 : i32 to index
        %get3A_619 = arith.constant 32 : index
        %get3A_620 = tpu.vector_load %get3A_617[%get3A_618, %get3A_619] {strides = array<i32>} : memref<128x64xf32, #tpu.memory_space<vmem>>, vector<1x16xf32>,
        %get3A_621 = vector.shape_cast %get3A_620 : vector<1x16xf32> to vector<16xf32>
        %mul3A_622 = arith.mulf %get3A_621, %get3A_14 : vector<16xf32>
        %get3A_623 = arith.constant 0 : i32
        %get3A_624 = arith.constant 0 : i32
        %get3A_625 = tpu.memref_slice %arg16[%select_n3A_154, %get3A_623, %get3A_624] : memref<2x128x64xf32, #tpu.memory_space<vmem>> -> memref<1x128x64xf32, #tpu.memory_space<vmem>>
        %get3A_626 = tpu.memref_squeeze %get3A_625 : memref<1x128x64xf32, #tpu.memory_space<vmem>> -> memref<128x64xf32, #tpu.memory_space<vmem>>
        %get3A_627 = arith.index_cast %scan3A_535 : i32 to index
        %get3A_628 = arith.constant 32 : index
        %get3A_629 = tpu.vector_load %get3A_626[%get3A_627, %get3A_628] {strides = array<i32>} : memref<128x64xf32, #tpu.memory_space<vmem>>, vector<1x16xf32>,
        %get3A_630 = vector.shape_cast %get3A_629 : vector<1x16xf32> to vector<16xf32>
        %mul3A_631 = arith.mulf %get3A_630, %get3A_34 : vector<16xf32>
        %add3A_632 = arith.addf %mul3A_622, %mul3A_631 : vector<16xf32>
        %get3A_633 = arith.constant 0 : i32
        %get3A_634 = arith.constant 0 : i32
        %get3A_635 = tpu.memref_slice %arg15[%select_n3A_154, %get3A_633, %get3A_634] : memref<2x128x64xf32, #tpu.memory_space<vmem>> -> memref<1x128x64xf32, #tpu.memory_space<vmem>>
        %get3A_636 = tpu.memref_squeeze %get3A_635 : memref<1x128x64xf32, #tpu.memory_space<vmem>> -> memref<128x64xf32, #tpu.memory_space<vmem>>
        %get3A_637 = arith.index_cast %scan3A_535 : i32 to index
        %get3A_638 = arith.constant 32 : index
        %get3A_639 = tpu.vector_load %get3A_636[%get3A_637, %get3A_638] {strides = array<i32>} : memref<128x64xf32, #tpu.memory_space<vmem>>, vector<1x16xf32>,
        %get3A_640 = vector.shape_cast %get3A_639 : vector<1x16xf32> to vector<16xf32>
        %mul3A_641 = arith.mulf %get3A_640, %get3A_54 : vector<16xf32>
        %add3A_642 = arith.addf %add3A_632, %mul3A_641 : vector<16xf32>
        %add3A_643 = arith.addf %add3A_642, %get3A_68 : vector<16xf32>
        %swap3A_644 = arith.constant 0 : i32
        %swap3A_645 = arith.constant 0 : i32
        %swap3A_646 = tpu.memref_slice %arg17[%select_n3A_154, %swap3A_644, %swap3A_645] : memref<2x128x64xf32, #tpu.memory_space<vmem>> -> memref<1x128x64xf32, #tpu.memory_space<vmem>>
        %swap3A_647 = tpu.memref_squeeze %swap3A_646 : memref<1x128x64xf32, #tpu.memory_space<vmem>> -> memref<128x64xf32, #tpu.memory_space<vmem>>
        %swap3A_648 = arith.index_cast %scan3A_535 : i32 to index
        %swap3A_649 = arith.constant 32 : index
        %swap3A_650 = tpu.vector_load %swap3A_647[%swap3A_648, %swap3A_649] {strides = array<i32>} : memref<128x64xf32, #tpu.memory_space<vmem>>, vector<1x16xf32>,
        %swap3A_651 = vector.shape_cast %swap3A_650 : vector<1x16xf32> to vector<16xf32>
        %swap3A_652 = vector.shape_cast %add3A_643 : vector<16xf32> to vector<1x16xf32>
        tpu.vector_store %swap3A_647[%swap3A_648, %swap3A_649], %swap3A_652 {strides = array<i32>} : memref<128x64xf32, #tpu.memory_space<vmem>>, vector<1x16xf32>,
        %get3A_653 = arith.constant 0 : i32
        %get3A_654 = arith.constant 0 : i32
        %get3A_655 = tpu.memref_slice %arg14[%select_n3A_154, %get3A_653, %get3A_654] : memref<2x128x64xf32, #tpu.memory_space<vmem>> -> memref<1x128x64xf32, #tpu.memory_space<vmem>>
        %get3A_656 = tpu.memref_squeeze %get3A_655 : memref<1x128x64xf32, #tpu.memory_space<vmem>> -> memref<128x64xf32, #tpu.memory_space<vmem>>
        %get3A_657 = arith.index_cast %scan3A_535 : i32 to index
        %get3A_658 = arith.constant 48 : index
        %get3A_659 = tpu.vector_load %get3A_656[%get3A_657, %get3A_658] {strides = array<i32>} : memref<128x64xf32, #tpu.memory_space<vmem>>, vector<1x16xf32>,
        %get3A_660 = vector.shape_cast %get3A_659 : vector<1x16xf32> to vector<16xf32>
        %mul3A_661 = arith.mulf %get3A_660, %get3A_19 : vector<16xf32>
        %get3A_662 = arith.constant 0 : i32
        %get3A_663 = arith.constant 0 : i32
        %get3A_664 = tpu.memref_slice %arg16[%select_n3A_154, %get3A_662, %get3A_663] : memref<2x128x64xf32, #tpu.memory_space<vmem>> -> memref<1x128x64xf32, #tpu.memory_space<vmem>>
        %get3A_665 = tpu.memref_squeeze %get3A_664 : memref<1x128x64xf32, #tpu.memory_space<vmem>> -> memref<128x64xf32, #tpu.memory_space<vmem>>
        %get3A_666 = arith.index_cast %scan3A_535 : i32 to index
        %get3A_667 = arith.constant 48 : index
        %get3A_668 = tpu.vector_load %get3A_665[%get3A_666, %get3A_667] {strides = array<i32>} : memref<128x64xf32, #tpu.memory_space<vmem>>, vector<1x16xf32>,
        %get3A_669 = vector.shape_cast %get3A_668 : vector<1x16xf32> to vector<16xf32>
        %mul3A_670 = arith.mulf %get3A_669, %get3A_39 : vector<16xf32>
        %add3A_671 = arith.addf %mul3A_661, %mul3A_670 : vector<16xf32>
        %get3A_672 = arith.constant 0 : i32
        %get3A_673 = arith.constant 0 : i32
        %get3A_674 = tpu.memref_slice %arg15[%select_n3A_154, %get3A_672, %get3A_673] : memref<2x128x64xf32, #tpu.memory_space<vmem>> -> memref<1x128x64xf32, #tpu.memory_space<vmem>>
        %get3A_675 = tpu.memref_squeeze %get3A_674 : memref<1x128x64xf32, #tpu.memory_space<vmem>> -> memref<128x64xf32, #tpu.memory_space<vmem>>
        %get3A_676 = arith.index_cast %scan3A_535 : i32 to index
        %get3A_677 = arith.constant 48 : index
        %get3A_678 = tpu.vector_load %get3A_675[%get3A_676, %get3A_677] {strides = array<i32>} : memref<128x64xf32, #tpu.memory_space<vmem>>, vector<1x16xf32>,
        %get3A_679 = vector.shape_cast %get3A_678 : vector<1x16xf32> to vector<16xf32>
        %mul3A_680 = arith.mulf %get3A_679, %get3A_59 : vector<16xf32>
        %add3A_681 = arith.addf %add3A_671, %mul3A_680 : vector<16xf32>
        %add3A_682 = arith.addf %add3A_681, %get3A_71 : vector<16xf32>
        %swap3A_683 = arith.constant 0 : i32
        %swap3A_684 = arith.constant 0 : i32
        %swap3A_685 = tpu.memref_slice %arg17[%select_n3A_154, %swap3A_683, %swap3A_684] : memref<2x128x64xf32, #tpu.memory_space<vmem>> -> memref<1x128x64xf32, #tpu.memory_space<vmem>>
        %swap3A_686 = tpu.memref_squeeze %swap3A_685 : memref<1x128x64xf32, #tpu.memory_space<vmem>> -> memref<128x64xf32, #tpu.memory_space<vmem>>
        %swap3A_687 = arith.index_cast %scan3A_535 : i32 to index
        %swap3A_688 = arith.constant 48 : index
        %swap3A_689 = tpu.vector_load %swap3A_686[%swap3A_687, %swap3A_688] {strides = array<i32>} : memref<128x64xf32, #tpu.memory_space<vmem>>, vector<1x16xf32>,
        %swap3A_690 = vector.shape_cast %swap3A_689 : vector<1x16xf32> to vector<16xf32>
        %swap3A_691 = vector.shape_cast %add3A_682 : vector<16xf32> to vector<1x16xf32>
        tpu.vector_store %swap3A_686[%swap3A_687, %swap3A_688], %swap3A_691 {strides = array<i32>} : memref<128x64xf32, #tpu.memory_space<vmem>>, vector<1x16xf32>,
        %scan3A_692 = arith.constant 3 : i32
        %scan3A_693 = arith.addi %scan3A_220, %scan3A_692 : i32
        %get3A_694 = arith.constant 0 : i32
        %get3A_695 = arith.constant 0 : i32
        %get3A_696 = tpu.memref_slice %arg14[%select_n3A_154, %get3A_694, %get3A_695] : memref<2x128x64xf32, #tpu.memory_space<vmem>> -> memref<1x128x64xf32, #tpu.memory_space<vmem>>
        %get3A_697 = tpu.memref_squeeze %get3A_696 : memref<1x128x64xf32, #tpu.memory_space<vmem>> -> memref<128x64xf32, #tpu.memory_space<vmem>>
        %get3A_698 = arith.index_cast %scan3A_693 : i32 to index
        %get3A_699 = arith.constant 0 : index
        %get3A_700 = tpu.vector_load %get3A_697[%get3A_698, %get3A_699] {strides = array<i32>} : memref<128x64xf32, #tpu.memory_space<vmem>>, vector<1x16xf32>,
        %get3A_701 = vector.shape_cast %get3A_700 : vector<1x16xf32> to vector<16xf32>
        %mul3A_702 = arith.mulf %get3A_701, %get3A_4 : vector<16xf32>
        %get3A_703 = arith.constant 0 : i32
        %get3A_704 = arith.constant 0 : i32
        %get3A_705 = tpu.memref_slice %arg16[%select_n3A_154, %get3A_703, %get3A_704] : memref<2x128x64xf32, #tpu.memory_space<vmem>> -> memref<1x128x64xf32, #tpu.memory_space<vmem>>
        %get3A_706 = tpu.memref_squeeze %get3A_705 : memref<1x128x64xf32, #tpu.memory_space<vmem>> -> memref<128x64xf32, #tpu.memory_space<vmem>>
        %get3A_707 = arith.index_cast %scan3A_693 : i32 to index
        %get3A_708 = arith.constant 0 : index
        %get3A_709 = tpu.vector_load %get3A_706[%get3A_707, %get3A_708] {strides = array<i32>} : memref<128x64xf32, #tpu.memory_space<vmem>>, vector<1x16xf32>,
        %get3A_710 = vector.shape_cast %get3A_709 : vector<1x16xf32> to vector<16xf32>
        %mul3A_711 = arith.mulf %get3A_710, %get3A_24 : vector<16xf32>
        %add3A_712 = arith.addf %mul3A_702, %mul3A_711 : vector<16xf32>
        %get3A_713 = arith.constant 0 : i32
        %get3A_714 = arith.constant 0 : i32
        %get3A_715 = tpu.memref_slice %arg15[%select_n3A_154, %get3A_713, %get3A_714] : memref<2x128x64xf32, #tpu.memory_space<vmem>> -> memref<1x128x64xf32, #tpu.memory_space<vmem>>
        %get3A_716 = tpu.memref_squeeze %get3A_715 : memref<1x128x64xf32, #tpu.memory_space<vmem>> -> memref<128x64xf32, #tpu.memory_space<vmem>>
        %get3A_717 = arith.index_cast %scan3A_693 : i32 to index
        %get3A_718 = arith.constant 0 : index
        %get3A_719 = tpu.vector_load %get3A_716[%get3A_717, %get3A_718] {strides = array<i32>} : memref<128x64xf32, #tpu.memory_space<vmem>>, vector<1x16xf32>,
        %get3A_720 = vector.shape_cast %get3A_719 : vector<1x16xf32> to vector<16xf32>
        %mul3A_721 = arith.mulf %get3A_720, %get3A_44 : vector<16xf32>
        %add3A_722 = arith.addf %add3A_712, %mul3A_721 : vector<16xf32>
        %add3A_723 = arith.addf %add3A_722, %get3A_62 : vector<16xf32>
        %swap3A_724 = arith.constant 0 : i32
        %swap3A_725 = arith.constant 0 : i32
        %swap3A_726 = tpu.memref_slice %arg17[%select_n3A_154, %swap3A_724, %swap3A_725] : memref<2x128x64xf32, #tpu.memory_space<vmem>> -> memref<1x128x64xf32, #tpu.memory_space<vmem>>
        %swap3A_727 = tpu.memref_squeeze %swap3A_726 : memref<1x128x64xf32, #tpu.memory_space<vmem>> -> memref<128x64xf32, #tpu.memory_space<vmem>>
        %swap3A_728 = arith.index_cast %scan3A_693 : i32 to index
        %swap3A_729 = arith.constant 0 : index
        %swap3A_730 = tpu.vector_load %swap3A_727[%swap3A_728, %swap3A_729] {strides = array<i32>} : memref<128x64xf32, #tpu.memory_space<vmem>>, vector<1x16xf32>,
        %swap3A_731 = vector.shape_cast %swap3A_730 : vector<1x16xf32> to vector<16xf32>
        %swap3A_732 = vector.shape_cast %add3A_723 : vector<16xf32> to vector<1x16xf32>
        tpu.vector_store %swap3A_727[%swap3A_728, %swap3A_729], %swap3A_732 {strides = array<i32>} : memref<128x64xf32, #tpu.memory_space<vmem>>, vector<1x16xf32>,
        %get3A_733 = arith.constant 0 : i32
        %get3A_734 = arith.constant 0 : i32
        %get3A_735 = tpu.memref_slice %arg14[%select_n3A_154, %get3A_733, %get3A_734] : memref<2x128x64xf32, #tpu.memory_space<vmem>> -> memref<1x128x64xf32, #tpu.memory_space<vmem>>
        %get3A_736 = tpu.memref_squeeze %get3A_735 : memref<1x128x64xf32, #tpu.memory_space<vmem>> -> memref<128x64xf32, #tpu.memory_space<vmem>>
        %get3A_737 = arith.index_cast %scan3A_693 : i32 to index
        %get3A_738 = arith.constant 16 : index
        %get3A_739 = tpu.vector_load %get3A_736[%get3A_737, %get3A_738] {strides = array<i32>} : memref<128x64xf32, #tpu.memory_space<vmem>>, vector<1x16xf32>,
        %get3A_740 = vector.shape_cast %get3A_739 : vector<1x16xf32> to vector<16xf32>
        %mul3A_741 = arith.mulf %get3A_740, %get3A_9 : vector<16xf32>
        %get3A_742 = arith.constant 0 : i32
        %get3A_743 = arith.constant 0 : i32
        %get3A_744 = tpu.memref_slice %arg16[%select_n3A_154, %get3A_742, %get3A_743] : memref<2x128x64xf32, #tpu.memory_space<vmem>> -> memref<1x128x64xf32, #tpu.memory_space<vmem>>
        %get3A_745 = tpu.memref_squeeze %get3A_744 : memref<1x128x64xf32, #tpu.memory_space<vmem>> -> memref<128x64xf32, #tpu.memory_space<vmem>>
        %get3A_746 = arith.index_cast %scan3A_693 : i32 to index
        %get3A_747 = arith.constant 16 : index
        %get3A_748 = tpu.vector_load %get3A_745[%get3A_746, %get3A_747] {strides = array<i32>} : memref<128x64xf32, #tpu.memory_space<vmem>>, vector<1x16xf32>,
        %get3A_749 = vector.shape_cast %get3A_748 : vector<1x16xf32> to vector<16xf32>
        %mul3A_750 = arith.mulf %get3A_749, %get3A_29 : vector<16xf32>
        %add3A_751 = arith.addf %mul3A_741, %mul3A_750 : vector<16xf32>
        %get3A_752 = arith.constant 0 : i32
        %get3A_753 = arith.constant 0 : i32
        %get3A_754 = tpu.memref_slice %arg15[%select_n3A_154, %get3A_752, %get3A_753] : memref<2x128x64xf32, #tpu.memory_space<vmem>> -> memref<1x128x64xf32, #tpu.memory_space<vmem>>
        %get3A_755 = tpu.memref_squeeze %get3A_754 : memref<1x128x64xf32, #tpu.memory_space<vmem>> -> memref<128x64xf32, #tpu.memory_space<vmem>>
        %get3A_756 = arith.index_cast %scan3A_693 : i32 to index
        %get3A_757 = arith.constant 16 : index
        %get3A_758 = tpu.vector_load %get3A_755[%get3A_756, %get3A_757] {strides = array<i32>} : memref<128x64xf32, #tpu.memory_space<vmem>>, vector<1x16xf32>,
        %get3A_759 = vector.shape_cast %get3A_758 : vector<1x16xf32> to vector<16xf32>
        %mul3A_760 = arith.mulf %get3A_759, %get3A_49 : vector<16xf32>
        %add3A_761 = arith.addf %add3A_751, %mul3A_760 : vector<16xf32>
        %add3A_762 = arith.addf %add3A_761, %get3A_65 : vector<16xf32>
        %swap3A_763 = arith.constant 0 : i32
        %swap3A_764 = arith.constant 0 : i32
        %swap3A_765 = tpu.memref_slice %arg17[%select_n3A_154, %swap3A_763, %swap3A_764] : memref<2x128x64xf32, #tpu.memory_space<vmem>> -> memref<1x128x64xf32, #tpu.memory_space<vmem>>
        %swap3A_766 = tpu.memref_squeeze %swap3A_765 : memref<1x128x64xf32, #tpu.memory_space<vmem>> -> memref<128x64xf32, #tpu.memory_space<vmem>>
        %swap3A_767 = arith.index_cast %scan3A_693 : i32 to index
        %swap3A_768 = arith.constant 16 : index
        %swap3A_769 = tpu.vector_load %swap3A_766[%swap3A_767, %swap3A_768] {strides = array<i32>} : memref<128x64xf32, #tpu.memory_space<vmem>>, vector<1x16xf32>,
        %swap3A_770 = vector.shape_cast %swap3A_769 : vector<1x16xf32> to vector<16xf32>
        %swap3A_771 = vector.shape_cast %add3A_762 : vector<16xf32> to vector<1x16xf32>
        tpu.vector_store %swap3A_766[%swap3A_767, %swap3A_768], %swap3A_771 {strides = array<i32>} : memref<128x64xf32, #tpu.memory_space<vmem>>, vector<1x16xf32>,
        %get3A_772 = arith.constant 0 : i32
        %get3A_773 = arith.constant 0 : i32
        %get3A_774 = tpu.memref_slice %arg14[%select_n3A_154, %get3A_772, %get3A_773] : memref<2x128x64xf32, #tpu.memory_space<vmem>> -> memref<1x128x64xf32, #tpu.memory_space<vmem>>
        %get3A_775 = tpu.memref_squeeze %get3A_774 : memref<1x128x64xf32, #tpu.memory_space<vmem>> -> memref<128x64xf32, #tpu.memory_space<vmem>>
        %get3A_776 = arith.index_cast %scan3A_693 : i32 to index
        %get3A_777 = arith.constant 32 : index
        %get3A_778 = tpu.vector_load %get3A_775[%get3A_776, %get3A_777] {strides = array<i32>} : memref<128x64xf32, #tpu.memory_space<vmem>>, vector<1x16xf32>,
        %get3A_779 = vector.shape_cast %get3A_778 : vector<1x16xf32> to vector<16xf32>
        %mul3A_780 = arith.mulf %get3A_779, %get3A_14 : vector<16xf32>
        %get3A_781 = arith.constant 0 : i32
        %get3A_782 = arith.constant 0 : i32
        %get3A_783 = tpu.memref_slice %arg16[%select_n3A_154, %get3A_781, %get3A_782] : memref<2x128x64xf32, #tpu.memory_space<vmem>> -> memref<1x128x64xf32, #tpu.memory_space<vmem>>
        %get3A_784 = tpu.memref_squeeze %get3A_783 : memref<1x128x64xf32, #tpu.memory_space<vmem>> -> memref<128x64xf32, #tpu.memory_space<vmem>>
        %get3A_785 = arith.index_cast %scan3A_693 : i32 to index
        %get3A_786 = arith.constant 32 : index
        %get3A_787 = tpu.vector_load %get3A_784[%get3A_785, %get3A_786] {strides = array<i32>} : memref<128x64xf32, #tpu.memory_space<vmem>>, vector<1x16xf32>,
        %get3A_788 = vector.shape_cast %get3A_787 : vector<1x16xf32> to vector<16xf32>
        %mul3A_789 = arith.mulf %get3A_788, %get3A_34 : vector<16xf32>
        %add3A_790 = arith.addf %mul3A_780, %mul3A_789 : vector<16xf32>
        %get3A_791 = arith.constant 0 : i32
        %get3A_792 = arith.constant 0 : i32
        %get3A_793 = tpu.memref_slice %arg15[%select_n3A_154, %get3A_791, %get3A_792] : memref<2x128x64xf32, #tpu.memory_space<vmem>> -> memref<1x128x64xf32, #tpu.memory_space<vmem>>
        %get3A_794 = tpu.memref_squeeze %get3A_793 : memref<1x128x64xf32, #tpu.memory_space<vmem>> -> memref<128x64xf32, #tpu.memory_space<vmem>>
        %get3A_795 = arith.index_cast %scan3A_693 : i32 to index
        %get3A_796 = arith.constant 32 : index
        %get3A_797 = tpu.vector_load %get3A_794[%get3A_795, %get3A_796] {strides = array<i32>} : memref<128x64xf32, #tpu.memory_space<vmem>>, vector<1x16xf32>,
        %get3A_798 = vector.shape_cast %get3A_797 : vector<1x16xf32> to vector<16xf32>
        %mul3A_799 = arith.mulf %get3A_798, %get3A_54 : vector<16xf32>
        %add3A_800 = arith.addf %add3A_790, %mul3A_799 : vector<16xf32>
        %add3A_801 = arith.addf %add3A_800, %get3A_68 : vector<16xf32>
        %swap3A_802 = arith.constant 0 : i32
        %swap3A_803 = arith.constant 0 : i32
        %swap3A_804 = tpu.memref_slice %arg17[%select_n3A_154, %swap3A_802, %swap3A_803] : memref<2x128x64xf32, #tpu.memory_space<vmem>> -> memref<1x128x64xf32, #tpu.memory_space<vmem>>
        %swap3A_805 = tpu.memref_squeeze %swap3A_804 : memref<1x128x64xf32, #tpu.memory_space<vmem>> -> memref<128x64xf32, #tpu.memory_space<vmem>>
        %swap3A_806 = arith.index_cast %scan3A_693 : i32 to index
        %swap3A_807 = arith.constant 32 : index
        %swap3A_808 = tpu.vector_load %swap3A_805[%swap3A_806, %swap3A_807] {strides = array<i32>} : memref<128x64xf32, #tpu.memory_space<vmem>>, vector<1x16xf32>,
        %swap3A_809 = vector.shape_cast %swap3A_808 : vector<1x16xf32> to vector<16xf32>
        %swap3A_810 = vector.shape_cast %add3A_801 : vector<16xf32> to vector<1x16xf32>
        tpu.vector_store %swap3A_805[%swap3A_806, %swap3A_807], %swap3A_810 {strides = array<i32>} : memref<128x64xf32, #tpu.memory_space<vmem>>, vector<1x16xf32>,
        %get3A_811 = arith.constant 0 : i32
        %get3A_812 = arith.constant 0 : i32
        %get3A_813 = tpu.memref_slice %arg14[%select_n3A_154, %get3A_811, %get3A_812] : memref<2x128x64xf32, #tpu.memory_space<vmem>> -> memref<1x128x64xf32, #tpu.memory_space<vmem>>
        %get3A_814 = tpu.memref_squeeze %get3A_813 : memref<1x128x64xf32, #tpu.memory_space<vmem>> -> memref<128x64xf32, #tpu.memory_space<vmem>>
        %get3A_815 = arith.index_cast %scan3A_693 : i32 to index
        %get3A_816 = arith.constant 48 : index
        %get3A_817 = tpu.vector_load %get3A_814[%get3A_815, %get3A_816] {strides = array<i32>} : memref<128x64xf32, #tpu.memory_space<vmem>>, vector<1x16xf32>,
        %get3A_818 = vector.shape_cast %get3A_817 : vector<1x16xf32> to vector<16xf32>
        %mul3A_819 = arith.mulf %get3A_818, %get3A_19 : vector<16xf32>
        %get3A_820 = arith.constant 0 : i32
        %get3A_821 = arith.constant 0 : i32
        %get3A_822 = tpu.memref_slice %arg16[%select_n3A_154, %get3A_820, %get3A_821] : memref<2x128x64xf32, #tpu.memory_space<vmem>> -> memref<1x128x64xf32, #tpu.memory_space<vmem>>
        %get3A_823 = tpu.memref_squeeze %get3A_822 : memref<1x128x64xf32, #tpu.memory_space<vmem>> -> memref<128x64xf32, #tpu.memory_space<vmem>>
        %get3A_824 = arith.index_cast %scan3A_693 : i32 to index
        %get3A_825 = arith.constant 48 : index
        %get3A_826 = tpu.vector_load %get3A_823[%get3A_824, %get3A_825] {strides = array<i32>} : memref<128x64xf32, #tpu.memory_space<vmem>>, vector<1x16xf32>,
        %get3A_827 = vector.shape_cast %get3A_826 : vector<1x16xf32> to vector<16xf32>
        %mul3A_828 = arith.mulf %get3A_827, %get3A_39 : vector<16xf32>
        %add3A_829 = arith.addf %mul3A_819, %mul3A_828 : vector<16xf32>
        %get3A_830 = arith.constant 0 : i32
        %get3A_831 = arith.constant 0 : i32
        %get3A_832 = tpu.memref_slice %arg15[%select_n3A_154, %get3A_830, %get3A_831] : memref<2x128x64xf32, #tpu.memory_space<vmem>> -> memref<1x128x64xf32, #tpu.memory_space<vmem>>
        %get3A_833 = tpu.memref_squeeze %get3A_832 : memref<1x128x64xf32, #tpu.memory_space<vmem>> -> memref<128x64xf32, #tpu.memory_space<vmem>>
        %get3A_834 = arith.index_cast %scan3A_693 : i32 to index
        %get3A_835 = arith.constant 48 : index
        %get3A_836 = tpu.vector_load %get3A_833[%get3A_834, %get3A_835] {strides = array<i32>} : memref<128x64xf32, #tpu.memory_space<vmem>>, vector<1x16xf32>,
        %get3A_837 = vector.shape_cast %get3A_836 : vector<1x16xf32> to vector<16xf32>
        %mul3A_838 = arith.mulf %get3A_837, %get3A_59 : vector<16xf32>
        %add3A_839 = arith.addf %add3A_829, %mul3A_838 : vector<16xf32>
        %add3A_840 = arith.addf %add3A_839, %get3A_71 : vector<16xf32>
        %swap3A_841 = arith.constant 0 : i32
        %swap3A_842 = arith.constant 0 : i32
        %swap3A_843 = tpu.memref_slice %arg17[%select_n3A_154, %swap3A_841, %swap3A_842] : memref<2x128x64xf32, #tpu.memory_space<vmem>> -> memref<1x128x64xf32, #tpu.memory_space<vmem>>
        %swap3A_844 = tpu.memref_squeeze %swap3A_843 : memref<1x128x64xf32, #tpu.memory_space<vmem>> -> memref<128x64xf32, #tpu.memory_space<vmem>>
        %swap3A_845 = arith.index_cast %scan3A_693 : i32 to index
        %swap3A_846 = arith.constant 48 : index
        %swap3A_847 = tpu.vector_load %swap3A_844[%swap3A_845, %swap3A_846] {strides = array<i32>} : memref<128x64xf32, #tpu.memory_space<vmem>>, vector<1x16xf32>,
        %swap3A_848 = vector.shape_cast %swap3A_847 : vector<1x16xf32> to vector<16xf32>
        %swap3A_849 = vector.shape_cast %add3A_840 : vector<16xf32> to vector<1x16xf32>
        tpu.vector_store %swap3A_844[%swap3A_845, %swap3A_846], %swap3A_849 {strides = array<i32>} : memref<128x64xf32, #tpu.memory_space<vmem>>, vector<1x16xf32>,
      }
      %scan3A_207 = arith.constant 128 : i32
      %dma_start3A_208 = arith.constant 0 : i32
      %dma_start3A_209 = arith.constant 0 : i32
      %dma_start3A_210 = tpu.memref_slice %arg17[%select_n3A_154, %dma_start3A_208, %dma_start3A_209] : memref<2x128x64xf32, #tpu.memory_space<vmem>> -> memref<1x128x64xf32, #tpu.memory_space<vmem>>
      %dma_start3A_211 = tpu.memref_squeeze %dma_start3A_210 : memref<1x128x64xf32, #tpu.memory_space<vmem>> -> memref<128x64xf32, #tpu.memory_space<vmem>>
      %dma_start3A_212 = arith.constant 0 : i32
      %dma_start3A_213 = tpu.memref_slice %arg10[%add3A_197, %dma_start3A_212] : memref<204800x64xf32, #tpu.memory_space<hbm>> -> memref<128x64xf32, #tpu.memory_space<hbm>>
      %dma_start3A_214 = arith.constant 0 : i32
      %dma_start3A_215 = tpu.memref_slice %arg10[%add3A_197, %dma_start3A_214] : memref<204800x64xf32, #tpu.memory_space<hbm>> -> memref<128x64xf32, #tpu.memory_space<hbm>>
      %dma_start3A_216 = arith.constant 0 : i32
      %dma_start3A_217 = arith.constant 0 : i32
      %dma_start3A_218 = tpu.memref_slice %arg17[%select_n3A_154, %dma_start3A_216, %dma_start3A_217] : memref<2x128x64xf32, #tpu.memory_space<vmem>> -> memref<1x128x64xf32, #tpu.memory_space<vmem>>
      %dma_start3A_219 = tpu.memref_squeeze %dma_start3A_218 : memref<1x128x64xf32, #tpu.memory_space<vmem>> -> memref<128x64xf32, #tpu.memory_space<vmem>>
      tpu.enqueue_dma source(%dma_start3A_219 : memref<128x64xf32, #tpu.memory_space<vmem>>) target(%dma_start3A_215 : memref<128x64xf32, #tpu.memory_space<hbm>>) target_semaphore(%arg21 : memref<!tpu.dma_semaphore, #tpu.memory_space<semaphore_mem>>)
    }
    %scan3A_111 = arith.constant 50 : i32
    %mul3A_112 = arith.constant 6400 : i32
    %mul3A_113 = arith.muli %add3A, %mul3A_112 : i32
    %add3A_114 = arith.constant 6144 : i32
    %add3A_115 = arith.addi %mul3A_113, %add3A_114 : i32
    %dma_wait3A = arith.constant 0 : i32
    %dma_wait3A_116 = arith.constant 0 : i32
    %dma_wait3A_117 = arith.constant 0 : i32
    %dma_wait3A_118 = tpu.memref_slice %arg17[%dma_wait3A, %dma_wait3A_116, %dma_wait3A_117] : memref<2x128x64xf32, #tpu.memory_space<vmem>> -> memref<1x128x64xf32, #tpu.memory_space<vmem>>
    %dma_wait3A_119 = tpu.memref_squeeze %dma_wait3A_118 : memref<1x128x64xf32, #tpu.memory_space<vmem>> -> memref<128x64xf32, #tpu.memory_space<vmem>>
    %dma_wait3A_120 = arith.constant 0 : i32
    %dma_wait3A_121 = tpu.memref_slice %arg10[%add3A_115, %dma_wait3A_120] : memref<204800x64xf32, #tpu.memory_space<hbm>> -> memref<128x64xf32, #tpu.memory_space<hbm>>
    %dma_wait3A_122 = arith.constant 0 : i32
    %dma_wait3A_123 = tpu.memref_slice %arg10[%add3A_115, %dma_wait3A_122] : memref<204800x64xf32, #tpu.memory_space<hbm>> -> memref<128x64xf32, #tpu.memory_space<hbm>>
    %dma_wait3A_124 = arith.constant 0 : i32
    %dma_wait3A_125 = arith.constant 0 : i32
    %dma_wait3A_126 = tpu.memref_slice %arg17[%dma_wait3A, %dma_wait3A_124, %dma_wait3A_125] : memref<2x128x64xf32, #tpu.memory_space<vmem>> -> memref<1x128x64xf32, #tpu.memory_space<vmem>>
    %dma_wait3A_127 = tpu.memref_squeeze %dma_wait3A_126 : memref<1x128x64xf32, #tpu.memory_space<vmem>> -> memref<128x64xf32, #tpu.memory_space<vmem>>
    tpu.wait_dma2 semaphore(%arg21 : memref<!tpu.dma_semaphore, #tpu.memory_space<semaphore_mem>>) src(%dma_wait3A_127 : memref<128x64xf32, #tpu.memory_space<vmem>>) dst(%dma_wait3A_123 : memref<128x64xf32, #tpu.memory_space<hbm>>)
    %mul3A_128 = arith.constant 6400 : i32
    %mul3A_129 = arith.muli %add3A, %mul3A_128 : i32
    %add3A_130 = arith.constant 6272 : i32
    %add3A_131 = arith.addi %mul3A_129, %add3A_130 : i32
    %dma_wait3A_132 = arith.constant 1 : i32
    %dma_wait3A_133 = arith.constant 0 : i32
    %dma_wait3A_134 = arith.constant 0 : i32
    %dma_wait3A_135 = tpu.memref_slice %arg17[%dma_wait3A_132, %dma_wait3A_133, %dma_wait3A_134] : memref<2x128x64xf32, #tpu.memory_space<vmem>> -> memref<1x128x64xf32, #tpu.memory_space<vmem>>
    %dma_wait3A_136 = tpu.memref_squeeze %dma_wait3A_135 : memref<1x128x64xf32, #tpu.memory_space<vmem>> -> memref<128x64xf32, #tpu.memory_space<vmem>>
    %dma_wait3A_137 = arith.constant 0 : i32
    %dma_wait3A_138 = tpu.memref_slice %arg10[%add3A_131, %dma_wait3A_137] : memref<204800x64xf32, #tpu.memory_space<hbm>> -> memref<128x64xf32, #tpu.memory_space<hbm>>
    %dma_wait3A_139 = arith.constant 0 : i32
    %dma_wait3A_140 = tpu.memref_slice %arg10[%add3A_131, %dma_wait3A_139] : memref<204800x64xf32, #tpu.memory_space<hbm>> -> memref<128x64xf32, #tpu.memory_space<hbm>>
    %dma_wait3A_141 = arith.constant 0 : i32
    %dma_wait3A_142 = arith.constant 0 : i32
    %dma_wait3A_143 = tpu.memref_slice %arg17[%dma_wait3A_132, %dma_wait3A_141, %dma_wait3A_142] : memref<2x128x64xf32, #tpu.memory_space<vmem>> -> memref<1x128x64xf32, #tpu.memory_space<vmem>>
    %dma_wait3A_144 = tpu.memref_squeeze %dma_wait3A_143 : memref<1x128x64xf32, #tpu.memory_space<vmem>> -> memref<128x64xf32, #tpu.memory_space<vmem>>
    tpu.wait_dma2 semaphore(%arg21 : memref<!tpu.dma_semaphore, #tpu.memory_space<semaphore_mem>>) src(%dma_wait3A_144 : memref<128x64xf32, #tpu.memory_space<vmem>>) dst(%dma_wait3A_140 : memref<128x64xf32, #tpu.memory_space<hbm>>)
    return
  }
}

</mosaic_0001>

<sc_bundles>
// kernel: kernel.3.cloned.1.call-start
scs
__scs_entry_jumppad:
0x0: {  	(pc) =	sbr.rel $0x88, $3  }
0x1: {  	(tag) =	ssettag $0x0;
	lr =	simm.s32 $0x1  }
0x2: {  	[smem:$0x3F99] =	sst lr;
	_ =	strace $0xD0000000  }
0x3: {  	_ = 	snop  }
0x4: {  	_ = 	snop  }
0x5: {  	_ = 	snop  }
0x6: {  	_ = 	snop  }
0x7: {  	_ = 	snop  }
__scs_overlays_trampoline_lowered:
0x8: {  	[smem:$0x3FA8] =	sst s0  }
0x9: {  	[smem:$0x3FA9] =	sst s1  }
0xa: {  	[smem:$0x3FAA] =	sst s2  }
0xb: {  	[smem:$0x3FAB] =	sst s3  }
0xc: {  	[smem:$0x3FAC] =	sst s4  }
0xd: {  	[smem:$0x3FAD] =	sst s5  }
0xe: {  	[smem:$0x3FAE] =	sst s6  }
0xf: {  	[smem:$0x3FAF] =	sst s7  }
0x10: {  	[smem:$0x3FB0] =	sst s8  }
0x11: {  	[smem:$0x3FB1] =	sst s9;
	s0 =	simm.s32 @!p0 $0x0  }
0x12: {  	s1 =	sld [smem:$0x3F97];
	s0 =	simm.s32 @p0 $0x1  }
0x13: {  	[smem:$0x3FB2] =	sst s0;
	s0 =	simm.s32 @!p1 $0x0  }
0x14: {  	s2 =	sld [smem:$0x3F96];
	s0 =	simm.s32 @p1 $0x1  }
0x15: {  	[smem:$0x3FB3] =	sst s0;
	s0 =	simm.s32 @!p2 $0x0  }
0x16: {  	s3 =	sld [smem:$0x3FDB];
	s0 =	simm.s32 @p2 $0x1  }
0x17: {  	s4 =	simm.s32 $0x1BF5;
	[smem:$0x3FB5] =	sst s0  }
0x18: {  	s0 =	sld [smem:$0x3F98];
	_ =	swait.ge [sflag:s4], $0x0  }
0x19: {  	s7 =	sld [smem:$0x3F99]  }
0x1a: {  	s8 =	sadd.s32 $0xFFFFE003, lr  }
0x1b: {  	s9 =	sadd.s32 $0xFFFFFEF7, lr;
	s5 =	simm.s32 $0xFFFFFFFF;
	p2 =	slt.u32 s8, $0xFFFFF086  }
0x1c: {  	p1 =	slt.u32 s9, $0xF7A;
	s5 =	simm.s32 @!p2 $0x0  }
0x1d: {  	s5 =	simm.s32 @p1 $0x1;
	p0 =	seq.s32 s7, s2  }
0x1e: {  	s7 =	smul.u32 @!p0 $0xF7A, s2;
	p2 =	seq.s32 @!p0 s5, $0x0  }
0x1f: {  	s9 =	smul.u32 $0xF7A, s1;
	s8 =	simm.s32 @!p0 $0x1BF5;
	p2 =	por !p2, p0  }
0x20: {  	[sflag:s8] =	ssyncset.s32 @!p0 $0xFFFFF086;
	s6 =	sadd.s32 @!p0 s3, s7;
	s7 =	simm.s32 @!p0 $0x108  }
0x21: {  	s3 =	sadd.s32 s3, s9;
	s6 =	sadd.s32 @!p0 $0x88, s6;
	s7 =	simm.s32 @p2 $0x1082  }
0x22: {  	[simem:s7], [sflag:s8] =	dma.local @!p0 [hbm:s6], $0xF7A  }
0x23: {  	s9 =	sor.u32 $0xD0000000, s2;
	s6 =	simm.s32 $0x108;
	_ =	swait.ge @!p0 [sflag:s8], $0x0  }
0x24: {  	s3 =	sadd.s32 $0x88, s3;
	s6 =	simm.s32 @!p1 $0x1082;
	[sflag:s4] =	ssyncset.s32 $0xFFFFF086  }
0x25: {  	[simem:s6], [sflag:s4] =	dma.local [hbm:s3], $0xF7A  }
0x26: {  	[smem:$0x3F99] =	sst s1;
	(tag) =	ssettag s2;
	_ =	strace s9  }
0x27: {  	s1 =	sld [smem:$0x3FA9]  }
0x28: {  	s2 =	sld [smem:$0x3FAA]  }
0x29: {  	s4 =	sld [smem:$0x3FAC]  }
0x2a: {  	p0 =	seq.s32 s5, $0x0;
	s5 =	sld [smem:$0x3FAD]  }
0x2b: {  	s6 =	sld [smem:$0x3FAE]  }
0x2c: {  	s7 =	sld [smem:$0x3FAF]  }
0x2d: {  	s3 =	simm.s32 $0x108;
	s8 =	sld [smem:$0x3FB0]  }
0x2e: {  	s3 =	simm.s32 @!p0 $0x1082;
	s9 =	sld [smem:$0x3FB1]  }
0x2f: {  	lr =	sadd.s32 s0, s3;
	s0 =	sld [smem:$0x3FA8]  }
0x30: {  	s3 =	sld [smem:$0x3FAB]  }
0x31: {  	[smem:$0x3FB4] =	sst s10  }
0x32: {  	s10 =	sld [smem:$0x3FB2];
	_ =	sdelay $0x3  }
0x33: {  	p0 =	seq.s32 s10, $0x1;
	s10 =	sld [smem:$0x3FB4];
	_ =	sdelay $0x3  }
0x34: {  	[smem:$0x3FB4] =	sst s10  }
0x35: {  	s10 =	sld [smem:$0x3FB3];
	_ =	sdelay $0x3  }
0x36: {  	p1 =	seq.s32 s10, $0x1;
	s10 =	sld [smem:$0x3FB4];
	_ =	sdelay $0x3  }
0x37: {  	[smem:$0x3FB4] =	sst s10  }
0x38: {  	s10 =	sld [smem:$0x3FB5]  }
0x39: {  	_ = 	snop;
	(pc) =	sbr.ind lr, $3  }
0x3a: {  	_ = 	snop  }
0x3b: {  	_ = 	snop  }
0x3c: {  	p2 =	seq.s32 s10, $0x1;
	s10 =	sld [smem:$0x3FB4]  }
0x3d: {  	_ =	shalt  }
0x3e: {  	_ =	shalt  }
0x3f: {  	_ =	shalt  }
0x40: {  	_ =	shalt  }
0x41: {  	_ =	shalt  }
0x42: {  	_ =	shalt  }
0x43: {  	_ =	shalt  }
0x44: {  	_ =	shalt  }
0x45: {  	_ =	shalt  }
0x46: {  	_ =	shalt  }
0x47: {  	_ =	shalt  }
0x48: {  	_ =	shalt  }
0x49: {  	_ =	shalt  }
0x4a: {  	_ =	shalt  }
0x4b: {  	_ =	shalt  }
0x4c: {  	_ =	shalt  }
0x4d: {  	_ =	shalt  }
0x4e: {  	_ =	shalt  }
0x4f: {  	_ =	shalt  }
0x50: {  	_ =	shalt  }
0x51: {  	_ =	shalt  }
0x52: {  	_ =	shalt  }
0x53: {  	_ =	shalt  }
0x54: {  	_ =	shalt  }
0x55: {  	_ =	shalt  }
0x56: {  	_ =	shalt  }
0x57: {  	_ =	shalt  }
0x58: {  	_ =	shalt  }
0x59: {  	_ =	shalt  }
0x5a: {  	_ =	shalt  }
0x5b: {  	_ =	shalt  }
0x5c: {  	_ =	shalt  }
0x5d: {  	_ =	shalt  }
0x5e: {  	_ =	shalt  }
0x5f: {  	_ =	shalt  }
0x60: {  	_ =	shalt  }
0x61: {  	_ =	shalt  }
0x62: {  	_ =	shalt  }
0x63: {  	_ =	shalt  }
0x64: {  	_ =	shalt  }
0x65: {  	_ =	shalt  }
0x66: {  	_ =	shalt  }
0x67: {  	_ =	shalt  }
0x68: {  	_ =	shalt  }
0x69: {  	_ =	shalt  }
0x6a: {  	_ =	shalt  }
0x6b: {  	_ =	shalt  }
0x6c: {  	_ =	shalt  }
0x6d: {  	_ =	shalt  }
0x6e: {  	_ =	shalt  }
0x6f: {  	_ =	shalt  }
0x70: {  	_ =	shalt  }
0x71: {  	_ =	shalt  }
0x72: {  	_ =	shalt  }
0x73: {  	_ =	shalt  }
0x74: {  	_ =	shalt  }
0x75: {  	_ =	shalt  }
0x76: {  	_ =	shalt  }
0x77: {  	_ =	shalt  }
0x78: {  	_ =	shalt  }
0x79: {  	_ =	shalt  }
0x7a: {  	_ =	shalt  }
0x7b: {  	_ =	shalt  }
0x7c: {  	_ =	shalt  }
0x7d: {  	_ =	shalt  }
0x7e: {  	_ =	shalt  }
0x7f: {  	_ =	shalt  }
0x80: {  	_ =	shalt  }
0x81: {  	_ =	shalt  }
0x82: {  	_ =	shalt  }
0x83: {  	_ =	shalt  }
0x84: {  	_ =	shalt  }
0x85: {  	_ =	shalt  }
0x86: {  	_ =	shalt  }
0x87: {  	_ =	shalt  }
.Lfunc_end0:
.L_simem_size_0:
called_computation.1_lowered:
.L_overlay_start_0:
0x88: {  	s2 =	sld [smem:$0x3FD9]  }
0x89: {  	s3 =	sld [smem:$0x3FFE];
	_ =	sdelay $0x1  }
0x8a: {  	s1 =	srdreg.scid  }
0x8b: {  	s0 =	sand.u32 $0x1, s1  }
0x8c: {  	s17 =	sshll.u32 s0, $0xA;
	s2 =	sadd.s32 s3, s2  }
0x8d: {  	s2 =	sadd.s32 s2, s17  }
0x8e: {  	[smem:$0x3FC0] =	sst s2  }
0x8f: {  	_ = 	snop  }
0x90: {  	s2 =	sld [smem:$0x3FC2]  }
0x91: {  	s18 =	sld [smem:$0x3FD0];
	(tm) =	ssettm $0x1  }
0x92: {  	s4 =	sld [smem:$0x3FFB];
	_ =	sdelay $0x3  }
0x93: {  	_ =	strace s4  }
0x94: {  	s4 =	sld [smem:$0x3FFC];
	_ =	sdelay $0x3  }
0x95: {  	_ =	strace s4  }
0x96: {  	s4 =	sld [smem:$0x3FFD];
	_ =	sdelay $0x3  }
0x97: {  	_ =	strace s4  }
0x98: {  	_ =	strace $0x8FFFFFFF  }
0x99: {  	s19 =	sld [smem:$0x3FDB];
	_ =	sdelay $0x1  }
0x9a: {  	s5 =	simm.s32 $_scs_section_size  }
0x9b: {  	s6 =	simm.s32 $_size__tile_overlayer_lowered;
	s7 =	simm.s32 $_tile_overlayer_lowered  }
0x9c: {  	s22 =	simm.s32 $0x1BFF;
	s21 =	sshll.u32 s7, $0x1;
	s4 =	sadd.s32 s5, s19  }
0x9d: {  	s8 =	simm.s32 $0x0;
	s20 =	sshll.u32 s6, $0x1;
	s6 =	sadd.s32 s21, s4  }
0x9e: {  	[timem:s8], [sflag:s22] =	dma.local [hbm:s6], s20  }
0x9f: {  	_ =	swait.ge [sflag:s22], s20  }
0xa0: {  	s5 =	ssub.s32 $0x0, s20;
	[sflag:s22] =	ssyncset.done $0x0  }
0xa1: {  	[sflag:s22] =	ssyncadd.s32 s5;
	_ =	sdelay $0x1  }
0xa2: {  	s23 =	simm.s32 $0x1B8B  }
0xa3: {  	_ =	swait.ge [sflag:s23], $0x1  }
0xa4: {  	[sflag:s23] =	ssyncset.done $0x0  }
0xa5: {  	s25 =	simm.s32 $0x1B8E;
	s24 =	sld [smem:$0x3FFE];
	[sflag:s23] =	ssyncadd.s32 $0xFFFFFFFF  }
0xa6: {  	s26 =	simm.s32 $execute0_lowered;
	[smem:$0x3FD2] =	sst s25  }
0xa7: {  	s6 =	sshll.u32 s26, $0x1;
	_ =	strace $0x80000046;
	[dreg:$0x1] =	wrdreg $0xFFFFFFFF  }
0xa8: {  	s28 =	simm.s32 $_size_execute0_lowered;
	s4 =	sadd.s32 s4, s6;
	[dreg:$0x0] =	wrdreg $0x0  }
0xa9: {  	s6 =	sshll.u32 s28, $0x1;
	[dreg:$0x2] =	wrdreg s4  }
0xaa: {  	[dreg:$0x3] =	wrdreg s6  }
0xab: {  	[dreg:$0x4] =	wrdreg $0xC0  }
0xac: {  	_ =	task [dreg:s8], $0x5FFFF  }
0xad: {  	[dreg:$0x1] =	wrdreg $0xFFFFFFFF  }
0xae: {  	[dreg:$0x0] =	wrdreg $0x60  }
0xaf: {  	[dreg:$0x2] =	wrdreg s24  }
0xb0: {  	[dreg:$0x3] =	wrdreg s2  }
0xb1: {  	[dreg:$0x4] =	wrdreg s18  }
0xb2: {  	[dreg:$0x5] =	wrdreg $0x9  }
0xb3: {  	_ =	task.clear_ibuf [dreg:s8], $0x6FFFF;
	_ =	strace $0x90000046  }
0xb4: {  	s29 =	simm.s32 $0x9;
	_ =	strace $0x80000048  }
0xb5: {  	_ =	swait.ge [sflag:s29], $0x1  }
0xb6: {  	[sflag:s29] =	ssyncadd.s32 $0xFFFFFFFF  }
0xb7: {  	_ =	strace $0x90000048  }
0xb8: {  	_ =	sfence  }
0xb9: {  	s30 =	sld [smem:$0x0];
	_ =	sdelay $0x2  }
0xba: {  	s31 =	sshll.u32 s1, $0xD;
	s1 =	sshrl.u32 s1, $0x2  }
0xbb: {  	s3 =	sand.u32 $0x4000, s31;
	s1 =	sadd.s32 s1, s30  }
0xbc: {  	s0 =	sor.u32 s3, s0;
	s1 =	sshll.u32 s1, $0x11  }
0xbd: {  	s0 =	sor.u32 s1, s0  }
0xbe: {  	s0 =	sadd.s32 $0x8F2B, s0  }
0xbf: {  	[sflag:s0] =	ssyncadd.remote.s32 $0x1  }
0xc0: {  	_ =	sfence.sel $0xFFFF  }
0xc1: {  	[dreg:$0x0] =	wrdreg $0xFFFFFFFF;
	(pc) =	sbr.abs _section_cstart, $3  }
0xc2: {  	[dreg:$0x1] =	wrdreg $0xFFFFFFFF  }
0xc3: {  	_ =	task.clear_ibuf [dreg:s8], $0x2FFFF;
	_ =	strace $0x9FFFFFFF  }
0xc4: {  	(tm) =	ssettm $0x7FFFFFFF  }
0xc5: {  	_ =	shalt  }
tec
execute0_lowered:
.L_overlay_start_1:
0x0: {  	(tag) =	ssettag $0x1  }
0x1: {  	s0 =	rddreg [dreg:$0x0];
	s1 =	srdreg.scid  }
0x2: {  	s2 =	stileid.u32;
	s3 =	rddreg [dreg:$0x2];
	s4 =	simm.s32 $0x0  }
0x3: {  	s14 =	simm.s32 $0x3;
	s15 =	simm.s32 $0x1900;
	s16 =	simm.s32 $0x3200  }
0x4: {  	s19 =	simm.s32 $0x80;
	s22 =	simm.s32 $0x8B00;
	s23 =	simm.s32 $0x1  }
0x5: {  	s24 =	simm.s32 $0x2;
	s1 =	sand.u32 $0x1, s1;
	s2 =	sshll.u32 s2, $0x1  }
0x6: {  	s25 =	simm.s32 $0x0;
	[smem:$0x7FF] =	sst s4;
	s2 =	sor.u32 s1, s2  }
0x7: {  	s6 =	sadd.s32 $0xD7600, s0;
	s7 =	sadd.s32 $0xF43800, s0;
	s5 =	smul.u32 $0x320, s2  }
0x8: {  	s8 =	sadd.s32 $0xD7E00, s0;
	_ =	strace $0x80000047;
	s1 =	ssub.s32 $0x2, s1  }
0x9: {  	s31 =	sshrl.u32 s1, $0x1;
	s12 =	smul.u32 $0x64000, s2;
	s11 =	sadd.s32 s5, s0  }
0xa: {  	s5 =	sadd.s32 $0x1400, s0;
	s0 =	ssub.s32 s1, s31;
	s9 =	sadd.s32 $0xD1200, s11  }
0xb: {  	s10 =	sadd.s32 $0xCAE00, s11;
	s11 =	sadd.s32 $0xC4A00, s11;
	s13 =	smax.u32 s0, $0x1  }
.LBB2_1:
0xc: {  	[tilespmem:s4], [sflag:$0x3] =	stream.linear.gather [hbm4b:s9+s4], $0x1900, $0x38;
	[tilespmem:$0x14C00] =	vst v63  }
0xd: {  	_ =	swait.ge [sflag:s14], $0x1900  }
0xe: {  	[sflag:s14] =	ssyncset.done $0x0  }
0xf: {  	[sflag:s14] =	ssyncadd.s32 $0xFFFFE700  }
0x10: {  	[tilespmem:s15], [sflag:$0x3] =	stream.linear.gather [hbm4b:s10+s4], $0x1900, $0x38;
	[tilespmem:$0x14C00] =	vst v63  }
0x11: {  	_ =	swait.ge [sflag:s14], $0x1900  }
0x12: {  	[sflag:s14] =	ssyncset.done $0x0  }
0x13: {  	[sflag:s14] =	ssyncadd.s32 $0xFFFFE700  }
0x14: {  	[tilespmem:s16], [sflag:$0x3] =	stream.linear.gather [hbm4b:s11+s4], $0x1900, $0x38;
	[tilespmem:$0x14C00] =	vst v63  }
0x15: {  	_ =	swait.ge [sflag:s14], $0x1900  }
0x16: {  	[sflag:s14] =	ssyncset.done $0x0  }
0x17: {  	s0 =	simm.s32 $0x14B00;
	[sflag:s14] =	ssyncadd.s32 $0xFFFFE700  }
0x18: {  	[tilespmem:s0], [sflag:$0x3] =	stream.linear.gather [hbm4b:s8+s4], $0xC0, $0x38;
	[tilespmem:$0x14C00] =	vst v63  }
0x19: {  	_ =	swait.ge [sflag:s14], $0xC0  }
0x1a: {  	[sflag:s14] =	ssyncset.done $0x0  }
0x1b: {  	[sflag:s14] =	ssyncadd.s32 $0xFFFFFF40  }
0x1c: {  	s1 =	simm.s32 $0x14BC0;
	s29 =	rddreg [dreg:$0x1]  }
0x1d: {  	[tilespmem:s1], [sflag:$0x3] =	stream.linear.gather [hbm4b:s29+s4], $0x40, $0x38;
	[tilespmem:$0x14C00] =	vst v63  }
0x1e: {  	_ =	swait.ge [sflag:s14], $0x40  }
0x1f: {  	[sflag:s14] =	ssyncset.done $0x0  }
0x20: {  	[sflag:s14] =	ssyncadd.s32 $0xFFFFFFC0  }
0x21: {  	v0 =	vld [tilespmem:$0x14B00]  }
0x22: {  	v1 =	vld [tilespmem:$0x14B10]  }
0x23: {  	v2 =	vld [tilespmem:$0x14B20]  }
0x24: {  	v3 =	vld [tilespmem:$0x14B30]  }
0x25: {  	v4 =	vld [tilespmem:$0x14B40]  }
0x26: {  	v5 =	vld [tilespmem:$0x14B50]  }
0x27: {  	v6 =	vld [tilespmem:$0x14B60]  }
0x28: {  	v7 =	vld [tilespmem:$0x14B70]  }
0x29: {  	v8 =	vld [tilespmem:$0x14B80]  }
0x2a: {  	v9 =	vld [tilespmem:$0x14B90]  }
0x2b: {  	v10 =	vld [tilespmem:$0x14BA0]  }
0x2c: {  	v11 =	vld [tilespmem:$0x14BB0]  }
0x2d: {  	v12 =	vld [tilespmem:$0x14BC0]  }
0x2e: {  	v13 =	vld [tilespmem:$0x14BD0]  }
0x2f: {  	s30 =	simm.s32 $0x4B00;
	v14 =	vld [tilespmem:$0x14BE0]  }
0x30: {  	v15 =	vld [tilespmem:$0x14BF0];
	[tilespmem:s30], [sflag:$0x1] =	stream.indirect.gather [hbm4b:s5+s19], $0x40, s4, s19, $0xb8  }
0x31: {  	s31 =	simm.s32 $0xCB00  }
0x32: {  	[tilespmem:s31], [sflag:$0x1] =	stream.indirect.gather [hbm4b:s7+s19], $0x40, s16, s19, $0xb8;
	[tilespmem:$0x14C00] =	vst v63  }
0x33: {  	p0 =	por $0x0, $0x0;
	s0 =	simm.s32 $0x0  }
0x34: {  	[tilespmem:s22], [sflag:$0x1] =	stream.indirect.gather [hbm4b:s6+s19], $0x40, s15, s19, $0xb8;
	[tilespmem:$0x14C00] =	vst v63  }
.LBB2_2:
0x35: {  	_ =	swait.ge [sflag:s23], $0x2000  }
0x36: {  	[sflag:s23] =	ssyncset.done $0x0  }
0x37: {  	[sflag:s23] =	ssyncadd.s32 $0xFFFFE000  }
0x38: {  	_ =	swait.ge [sflag:s23], $0x2000  }
0x39: {  	[sflag:s23] =	ssyncset.done $0x0  }
0x3a: {  	s26 =	sadd.s32 $0x1, s0;
	p1 =	seq.s32 s0, $0x31;
	[sflag:s23] =	ssyncadd.s32 $0xFFFFE000  }
0x3b: {  	s1 =	sshll.u32 @!p1 s26, $0xD;
	_ =	swait.ge [sflag:s23], $0x2000  }
0x3c: {  	s17 =	sshll.u32 @!p1 s26, $0x7;
	s1 =	sand.u32 @!p1 $0x2000, s1;
	[sflag:s23] =	ssyncset.done $0x0  }
0x3d: {  	s18 =	simm.s32 @!p1 $0x80;
	s2 =	sor.u32 @!p1 $0x4B00, s1;
	[sflag:s23] =	ssyncadd.s32 $0xFFFFE000  }
0x3e: {  	[tilespmem:s2], [sflag:$0x1] =	stream.indirect.gather @!p1 [hbm4b:s5+s18], $0x40, s17, s18, $0xb8;
	[tilespmem:$0x14C00] =	vst v63  }
0x3f: {  	s20 =	sadd.s32 @!p1 $0x3200, s17;
	s2 =	sor.u32 @!p1 $0xCB00, s1  }
0x40: {  	[tilespmem:s2], [sflag:$0x1] =	stream.indirect.gather @!p1 [hbm4b:s7+s18], $0x40, s20, s18, $0xb8;
	[tilespmem:$0x14C00] =	vst v63  }
0x41: {  	p2 =	slt.u32 @!p1 s0, $0x2;
	s1 =	sor.u32 @!p1 $0x8B00, s1;
	s2 =	sadd.s32 @!p1 $0x1900, s17  }
0x42: {  	[tilespmem:s1], [sflag:$0x1] =	stream.indirect.gather @!p1 [hbm4b:s6+s18], $0x40, s2, s18, $0xb8;
	[tilespmem:$0x14C00] =	vst v63  }
0x43: {  	p1 =	por p1, !p2;
	s1 =	simm.s32 $0x1  }
0x44: {  	_ =	swait.ge @p1 [sflag:s24], $0x2000;
	s1 =	simm.s32 @!p0 $0x0  }
0x45: {  	[sflag:s24] =	ssyncset.done @p1 $0x0;
	s1 =	sshll.u32 s1, $0xD  }
0x46: {  	[sflag:s24] =	ssyncadd.s32 @p1 $0xFFFFE000;
	s29 =	sor.u32 $0xCB80, s1  }
0x47: {  	s31 =	sor.u32 $0x4B80, s1;
	v16 =	vld [tilespmem:s29+$0xFFFFFF80]  }
0x48: {  	v17 =	vld [tilespmem:s31+$0xFFFFFF80]  }
0x49: {  	s30 =	sor.u32 $0x8B80, s1  }
0x4a: {  	v18 =	vld [tilespmem:s30+$0xFFFFFF80];
	_ =	sdelay $0x2  }
0x4b: {  	v16 =	vmul.f32 v16, v4;
	v17 =	vmul.f32 v17, v0;
	_ =	sdelay $0x1  }
0x4c: {  	v18 =	vmul.f32 v18, v8;
	v16 =	vadd.f32 v16, v17;
	_ =	sdelay $0x1  }
0x4d: {  	v16 =	vadd.f32 v18, v16;
	_ =	sdelay $0x1  }
0x4e: {  	v16 =	vadd.f32 v16, v12  }
0x4f: {  	s28 =	sor.u32 $0x10B80, s1  }
0x50: {  	[tilespmem:s28+$0xFFFFFF80] =	vst v16  }
0x51: {  	v16 =	vld [tilespmem:s29+$0xFFFFFF90]  }
0x52: {  	v17 =	vld [tilespmem:s31+$0xFFFFFF90];
	_ =	sdelay $0x1  }
0x53: {  	v18 =	vld [tilespmem:s30+$0xFFFFFF90];
	_ =	sdelay $0x2  }
0x54: {  	v17 =	vmul.f32 v17, v1;
	v16 =	vmul.f32 v16, v5;
	_ =	sdelay $0x1  }
0x55: {  	v16 =	vadd.f32 v16, v17;
	v17 =	vmul.f32 v18, v9;
	_ =	sdelay $0x1  }
0x56: {  	v16 =	vadd.f32 v17, v16;
	_ =	sdelay $0x1  }
0x57: {  	v16 =	vadd.f32 v16, v13;
	_ =	sdelay $0x1  }
0x58: {  	[tilespmem:s28+$0xFFFFFF90] =	vst v16  }
0x59: {  	v16 =	vld [tilespmem:s31+$0xFFFFFFA0]  }
0x5a: {  	v17 =	vld [tilespmem:s29+$0xFFFFFFA0];
	_ =	sdelay $0x1  }
0x5b: {  	v18 =	vld [tilespmem:s30+$0xFFFFFFA0];
	_ =	sdelay $0x2  }
0x5c: {  	v16 =	vmul.f32 v16, v2;
	v17 =	vmul.f32 v17, v6;
	_ =	sdelay $0x1  }
0x5d: {  	v16 =	vadd.f32 v17, v16;
	v17 =	vmul.f32 v18, v10;
	_ =	sdelay $0x1  }
0x5e: {  	v16 =	vadd.f32 v17, v16;
	_ =	sdelay $0x1  }
0x5f: {  	v16 =	vadd.f32 v16, v14;
	_ =	sdelay $0x1  }
0x60: {  	[tilespmem:s28+$0xFFFFFFA0] =	vst v16  }
0x61: {  	v16 =	vld [tilespmem:s31+$0xFFFFFFB0]  }
0x62: {  	v17 =	vld [tilespmem:s29+$0xFFFFFFB0];
	_ =	sdelay $0x1  }
0x63: {  	v18 =	vld [tilespmem:s30+$0xFFFFFFB0];
	_ =	sdelay $0x2  }
0x64: {  	v16 =	vmul.f32 v16, v3;
	v17 =	vmul.f32 v17, v7;
	_ =	sdelay $0x1  }
0x65: {  	v16 =	vadd.f32 v17, v16;
	v17 =	vmul.f32 v18, v11;
	_ =	sdelay $0x1  }
0x66: {  	v16 =	vadd.f32 v17, v16;
	_ =	sdelay $0x1  }
0x67: {  	v16 =	vadd.f32 v16, v15;
	_ =	sdelay $0x1  }
0x68: {  	[tilespmem:s28+$0xFFFFFFB0] =	vst v16  }
0x69: {  	v16 =	vld [tilespmem:s31+$0xFFFFFFC0]  }
0x6a: {  	v17 =	vld [tilespmem:s29+$0xFFFFFFC0];
	_ =	sdelay $0x1  }
0x6b: {  	v18 =	vld [tilespmem:s30+$0xFFFFFFC0];
	_ =	sdelay $0x2  }
0x6c: {  	v16 =	vmul.f32 v16, v0;
	v17 =	vmul.f32 v17, v4;
	_ =	sdelay $0x1  }
0x6d: {  	v16 =	vadd.f32 v17, v16;
	v17 =	vmul.f32 v18, v8;
	_ =	sdelay $0x1  }
0x6e: {  	v16 =	vadd.f32 v17, v16;
	_ =	sdelay $0x1  }
0x6f: {  	v16 =	vadd.f32 v16, v12;
	_ =	sdelay $0x1  }
0x70: {  	[tilespmem:s28+$0xFFFFFFC0] =	vst v16  }
0x71: {  	v16 =	vld [tilespmem:s31+$0xFFFFFFD0]  }
0x72: {  	v17 =	vld [tilespmem:s29+$0xFFFFFFD0];
	_ =	sdelay $0x1  }
0x73: {  	v18 =	vld [tilespmem:s30+$0xFFFFFFD0];
	_ =	sdelay $0x2  }
0x74: {  	v16 =	vmul.f32 v16, v1;
	v17 =	vmul.f32 v17, v5;
	_ =	sdelay $0x1  }
0x75: {  	v16 =	vadd.f32 v17, v16;
	v17 =	vmul.f32 v18, v9;
	_ =	sdelay $0x1  }
0x76: {  	v16 =	vadd.f32 v17, v16;
	_ =	sdelay $0x1  }
0x77: {  	v16 =	vadd.f32 v16, v13;
	_ =	sdelay $0x1  }
0x78: {  	[tilespmem:s28+$0xFFFFFFD0] =	vst v16  }
0x79: {  	v16 =	vld [tilespmem:s31+$0xFFFFFFE0]  }
0x7a: {  	v17 =	vld [tilespmem:s29+$0xFFFFFFE0];
	_ =	sdelay $0x1  }
0x7b: {  	v18 =	vld [tilespmem:s30+$0xFFFFFFE0];
	_ =	sdelay $0x2  }
0x7c: {  	v16 =	vmul.f32 v16, v2;
	v17 =	vmul.f32 v17, v6;
	_ =	sdelay $0x1  }
0x7d: {  	v16 =	vadd.f32 v17, v16;
	v17 =	vmul.f32 v18, v10;
	_ =	sdelay $0x1  }
0x7e: {  	v16 =	vadd.f32 v17, v16;
	_ =	sdelay $0x1  }
0x7f: {  	v16 =	vadd.f32 v16, v14;
	_ =	sdelay $0x1  }
0x80: {  	[tilespmem:s28+$0xFFFFFFE0] =	vst v16  }
0x81: {  	v16 =	vld [tilespmem:s31+$0xFFFFFFF0]  }
0x82: {  	v17 =	vld [tilespmem:s29+$0xFFFFFFF0];
	_ =	sdelay $0x1  }
0x83: {  	v18 =	vld [tilespmem:s30+$0xFFFFFFF0];
	_ =	sdelay $0x2  }
0x84: {  	v16 =	vmul.f32 v16, v3;
	v17 =	vmul.f32 v17, v7;
	_ =	sdelay $0x1  }
0x85: {  	v16 =	vadd.f32 v17, v16;
	v17 =	vmul.f32 v18, v11;
	_ =	sdelay $0x1  }
0x86: {  	v16 =	vadd.f32 v17, v16;
	_ =	sdelay $0x1  }
0x87: {  	v16 =	vadd.f32 v16, v15;
	_ =	sdelay $0x1  }
0x88: {  	[tilespmem:s28+$0xFFFFFFF0] =	vst v16  }
0x89: {  	v16 =	vld [tilespmem:s31+$0x0]  }
0x8a: {  	v17 =	vld [tilespmem:s29+$0x0];
	_ =	sdelay $0x1  }
0x8b: {  	v18 =	vld [tilespmem:s30+$0x0];
	_ =	sdelay $0x2  }
0x8c: {  	v16 =	vmul.f32 v16, v0;
	v17 =	vmul.f32 v17, v4;
	_ =	sdelay $0x1  }
0x8d: {  	v16 =	vadd.f32 v17, v16;
	v17 =	vmul.f32 v18, v8;
	_ =	sdelay $0x1  }
0x8e: {  	v16 =	vadd.f32 v17, v16;
	_ =	sdelay $0x1  }
0x8f: {  	v16 =	vadd.f32 v16, v12;
	_ =	sdelay $0x1  }
0x90: {  	[tilespmem:s28+$0x0] =	vst v16  }
0x91: {  	v16 =	vld [tilespmem:s31+$0x10]  }
0x92: {  	v17 =	vld [tilespmem:s29+$0x10];
	_ =	sdelay $0x1  }
0x93: {  	v18 =	vld [tilespmem:s30+$0x10];
	_ =	sdelay $0x2  }
0x94: {  	v16 =	vmul.f32 v16, v1;
	v17 =	vmul.f32 v17, v5;
	_ =	sdelay $0x1  }
0x95: {  	v16 =	vadd.f32 v17, v16;
	v17 =	vmul.f32 v18, v9;
	_ =	sdelay $0x1  }
0x96: {  	v16 =	vadd.f32 v17, v16;
	_ =	sdelay $0x1  }
0x97: {  	v16 =	vadd.f32 v16, v13;
	_ =	sdelay $0x1  }
0x98: {  	[tilespmem:s28+$0x10] =	vst v16  }
0x99: {  	v16 =	vld [tilespmem:s31+$0x20]  }
0x9a: {  	v17 =	vld [tilespmem:s29+$0x20];
	_ =	sdelay $0x1  }
0x9b: {  	v18 =	vld [tilespmem:s30+$0x20];
	_ =	sdelay $0x2  }
0x9c: {  	v16 =	vmul.f32 v16, v2;
	v17 =	vmul.f32 v17, v6;
	_ =	sdelay $0x1  }
0x9d: {  	v16 =	vadd.f32 v17, v16;
	v17 =	vmul.f32 v18, v10;
	_ =	sdelay $0x1  }
0x9e: {  	v16 =	vadd.f32 v17, v16;
	_ =	sdelay $0x1  }
0x9f: {  	v16 =	vadd.f32 v16, v14;
	_ =	sdelay $0x1  }
0xa0: {  	[tilespmem:s28+$0x20] =	vst v16  }
0xa1: {  	v16 =	vld [tilespmem:s31+$0x30]  }
0xa2: {  	v17 =	vld [tilespmem:s29+$0x30];
	_ =	sdelay $0x1  }
0xa3: {  	v18 =	vld [tilespmem:s30+$0x30];
	_ =	sdelay $0x2  }
0xa4: {  	v16 =	vmul.f32 v16, v3;
	v17 =	vmul.f32 v17, v7;
	_ =	sdelay $0x1  }
0xa5: {  	v16 =	vadd.f32 v17, v16;
	v17 =	vmul.f32 v18, v11;
	_ =	sdelay $0x1  }
0xa6: {  	v16 =	vadd.f32 v17, v16;
	_ =	sdelay $0x1  }
0xa7: {  	v16 =	vadd.f32 v16, v15;
	_ =	sdelay $0x1  }
0xa8: {  	[tilespmem:s28+$0x30] =	vst v16  }
0xa9: {  	v16 =	vld [tilespmem:s31+$0x40]  }
0xaa: {  	v17 =	vld [tilespmem:s29+$0x40];
	_ =	sdelay $0x1  }
0xab: {  	v18 =	vld [tilespmem:s30+$0x40];
	_ =	sdelay $0x2  }
0xac: {  	v16 =	vmul.f32 v16, v0;
	v17 =	vmul.f32 v17, v4;
	_ =	sdelay $0x1  }
0xad: {  	v16 =	vadd.f32 v17, v16;
	v17 =	vmul.f32 v18, v8;
	_ =	sdelay $0x1  }
0xae: {  	v16 =	vadd.f32 v17, v16;
	_ =	sdelay $0x1  }
0xaf: {  	v16 =	vadd.f32 v16, v12;
	_ =	sdelay $0x1  }
0xb0: {  	[tilespmem:s28+$0x40] =	vst v16  }
0xb1: {  	v16 =	vld [tilespmem:s31+$0x50]  }
0xb2: {  	v17 =	vld [tilespmem:s29+$0x50];
	_ =	sdelay $0x1  }
0xb3: {  	v18 =	vld [tilespmem:s30+$0x50];
	_ =	sdelay $0x2  }
0xb4: {  	v16 =	vmul.f32 v16, v1;
	v17 =	vmul.f32 v17, v5;
	_ =	sdelay $0x1  }
0xb5: {  	v16 =	vadd.f32 v17, v16;
	v17 =	vmul.f32 v18, v9;
	_ =	sdelay $0x1  }
0xb6: {  	v16 =	vadd.f32 v17, v16;
	_ =	sdelay $0x1  }
0xb7: {  	v16 =	vadd.f32 v16, v13;
	_ =	sdelay $0x1  }
0xb8: {  	[tilespmem:s28+$0x50] =	vst v16  }
0xb9: {  	v16 =	vld [tilespmem:s31+$0x60]  }
0xba: {  	v17 =	vld [tilespmem:s29+$0x60];
	_ =	sdelay $0x1  }
0xbb: {  	v18 =	vld [tilespmem:s30+$0x60];
	_ =	sdelay $0x2  }
0xbc: {  	v16 =	vmul.f32 v16, v2;
	v17 =	vmul.f32 v17, v6;
	_ =	sdelay $0x1  }
0xbd: {  	v16 =	vadd.f32 v17, v16;
	v17 =	vmul.f32 v18, v10  }
0xbe: {  	s0 =	sshll.u32 s0, $0xD  }
0xbf: {  	s21 =	sand.u32 $0x2000, s0;
	v16 =	vadd.f32 v17, v16  }
0xc0: {  	s2 =	simm.s32 $0x0;
	s1 =	sadd.s32 $0x10B00, s21;
	s17 =	sadd.s32 $0x100, s30  }
0xc1: {  	s21 =	sadd.s32 $0x100, s28;
	s18 =	smov.u32 s31;
	s20 =	smov.u32 s29;
	v16 =	vadd.f32 v16, v14  }
.LBB2_3:
0xc2: {  	s2 =	sadd.s32 $0x4, s2;
	s31 =	sadd.s32 $0x100, s31;
	s29 =	sadd.s32 $0x100, s29  }
0xc3: {  	p1 =	slt.u32 s2, $0x7C;
	[tilespmem:s28+$0x60] =	vst v16  }
0xc4: {  	v16 =	vld [tilespmem:s18+$0x70];
	s18 =	smov.u32 s31  }
0xc5: {  	v17 =	vld [tilespmem:s20+$0x70];
	s20 =	smov.u32 s29  }
0xc6: {  	v18 =	vld [tilespmem:s30+$0x70];
	s30 =	smov.u32 s17;
	_ =	sdelay $0x3  }
0xc7: {  	v16 =	vmul.f32 v16, v3;
	v17 =	vmul.f32 v17, v7  }
0xc8: {  	v18 =	vmul.f32 v18, v11  }
0xc9: {  	v16 =	vadd.f32 v17, v16;
	_ =	sdelay $0x1  }
0xca: {  	v16 =	vadd.f32 v18, v16;
	_ =	sdelay $0x1  }
0xcb: {  	v16 =	vadd.f32 v16, v15;
	_ =	sdelay $0x1  }
0xcc: {  	[tilespmem:s28+$0x70] =	vst v16;
	s28 =	smov.u32 s21  }
0xcd: {  	v16 =	vld [tilespmem:s29+$0xFFFFFF80]  }
0xce: {  	v17 =	vld [tilespmem:s31+$0xFFFFFF80]  }
0xcf: {  	v18 =	vld [tilespmem:s17+$0xFFFFFF80];
	_ =	sdelay $0x2  }
0xd0: {  	v16 =	vmul.f32 v16, v4  }
0xd1: {  	v17 =	vmul.f32 v17, v0  }
0xd2: {  	v18 =	vmul.f32 v18, v8  }
0xd3: {  	v16 =	vadd.f32 v16, v17;
	_ =	sdelay $0x1  }
0xd4: {  	v16 =	vadd.f32 v18, v16;
	_ =	sdelay $0x1  }
0xd5: {  	v16 =	vadd.f32 v16, v12;
	_ =	sdelay $0x1  }
0xd6: {  	[tilespmem:s21+$0xFFFFFF80] =	vst v16  }
0xd7: {  	v16 =	vld [tilespmem:s29+$0xFFFFFF90]  }
0xd8: {  	v17 =	vld [tilespmem:s31+$0xFFFFFF90];
	_ =	sdelay $0x1  }
0xd9: {  	v18 =	vld [tilespmem:s17+$0xFFFFFF90];
	_ =	sdelay $0x2  }
0xda: {  	v16 =	vmul.f32 v16, v5;
	v17 =	vmul.f32 v17, v1;
	_ =	sdelay $0x1  }
0xdb: {  	v16 =	vadd.f32 v16, v17;
	v17 =	vmul.f32 v18, v9;
	_ =	sdelay $0x1  }
0xdc: {  	v16 =	vadd.f32 v17, v16;
	_ =	sdelay $0x1  }
0xdd: {  	v16 =	vadd.f32 v16, v13;
	_ =	sdelay $0x1  }
0xde: {  	[tilespmem:s21+$0xFFFFFF90] =	vst v16  }
0xdf: {  	v16 =	vld [tilespmem:s31+$0xFFFFFFA0]  }
0xe0: {  	v17 =	vld [tilespmem:s29+$0xFFFFFFA0];
	_ =	sdelay $0x1  }
0xe1: {  	v18 =	vld [tilespmem:s17+$0xFFFFFFA0];
	_ =	sdelay $0x2  }
0xe2: {  	v16 =	vmul.f32 v16, v2;
	v17 =	vmul.f32 v17, v6;
	_ =	sdelay $0x1  }
0xe3: {  	v16 =	vadd.f32 v17, v16;
	v17 =	vmul.f32 v18, v10;
	_ =	sdelay $0x1  }
0xe4: {  	v16 =	vadd.f32 v17, v16;
	_ =	sdelay $0x1  }
0xe5: {  	v16 =	vadd.f32 v16, v14;
	_ =	sdelay $0x1  }
0xe6: {  	[tilespmem:s21+$0xFFFFFFA0] =	vst v16  }
0xe7: {  	v16 =	vld [tilespmem:s31+$0xFFFFFFB0]  }
0xe8: {  	v17 =	vld [tilespmem:s29+$0xFFFFFFB0];
	_ =	sdelay $0x1  }
0xe9: {  	v18 =	vld [tilespmem:s17+$0xFFFFFFB0];
	_ =	sdelay $0x1  }
0xea: {  	v16 =	vmul.f32 v16, v3  }
0xeb: {  	v17 =	vmul.f32 v17, v7;
	_ =	sdelay $0x1  }
0xec: {  	v16 =	vadd.f32 v17, v16;
	v17 =	vmul.f32 v18, v11;
	_ =	sdelay $0x1  }
0xed: {  	v16 =	vadd.f32 v17, v16;
	_ =	sdelay $0x1  }
0xee: {  	v16 =	vadd.f32 v16, v15;
	_ =	sdelay $0x1  }
0xef: {  	[tilespmem:s21+$0xFFFFFFB0] =	vst v16  }
0xf0: {  	v16 =	vld [tilespmem:s31+$0xFFFFFFC0]  }
0xf1: {  	v17 =	vld [tilespmem:s29+$0xFFFFFFC0]  }
0xf2: {  	v18 =	vld [tilespmem:s17+$0xFFFFFFC0];
	_ =	sdelay $0x3  }
0xf3: {  	v16 =	vmul.f32 v16, v0;
	v17 =	vmul.f32 v17, v4;
	_ =	sdelay $0x1  }
0xf4: {  	v16 =	vadd.f32 v17, v16;
	v17 =	vmul.f32 v18, v8;
	_ =	sdelay $0x1  }
0xf5: {  	v16 =	vadd.f32 v17, v16;
	_ =	sdelay $0x1  }
0xf6: {  	v16 =	vadd.f32 v16, v12;
	_ =	sdelay $0x1  }
0xf7: {  	[tilespmem:s21+$0xFFFFFFC0] =	vst v16  }
0xf8: {  	v16 =	vld [tilespmem:s31+$0xFFFFFFD0]  }
0xf9: {  	v17 =	vld [tilespmem:s29+$0xFFFFFFD0]  }
0xfa: {  	v18 =	vld [tilespmem:s17+$0xFFFFFFD0];
	_ =	sdelay $0x2  }
0xfb: {  	v16 =	vmul.f32 v16, v1  }
0xfc: {  	v17 =	vmul.f32 v17, v5;
	_ =	sdelay $0x1  }
0xfd: {  	v16 =	vadd.f32 v17, v16;
	v17 =	vmul.f32 v18, v9;
	_ =	sdelay $0x1  }
0xfe: {  	v16 =	vadd.f32 v17, v16;
	_ =	sdelay $0x1  }
0xff: {  	v16 =	vadd.f32 v16, v13;
	_ =	sdelay $0x1  }
0x100: {  	[tilespmem:s21+$0xFFFFFFD0] =	vst v16  }
0x101: {  	v16 =	vld [tilespmem:s31+$0xFFFFFFE0]  }
0x102: {  	v17 =	vld [tilespmem:s29+$0xFFFFFFE0]  }
0x103: {  	v18 =	vld [tilespmem:s17+$0xFFFFFFE0];
	_ =	sdelay $0x2  }
0x104: {  	v16 =	vmul.f32 v16, v2  }
0x105: {  	v17 =	vmul.f32 v17, v6;
	_ =	sdelay $0x1  }
0x106: {  	v16 =	vadd.f32 v17, v16;
	v17 =	vmul.f32 v18, v10;
	_ =	sdelay $0x1  }
0x107: {  	v16 =	vadd.f32 v17, v16;
	_ =	sdelay $0x1  }
0x108: {  	v16 =	vadd.f32 v16, v14;
	_ =	sdelay $0x1  }
0x109: {  	[tilespmem:s21+$0xFFFFFFE0] =	vst v16  }
0x10a: {  	v16 =	vld [tilespmem:s31+$0xFFFFFFF0]  }
0x10b: {  	v17 =	vld [tilespmem:s29+$0xFFFFFFF0]  }
0x10c: {  	v18 =	vld [tilespmem:s17+$0xFFFFFFF0];
	_ =	sdelay $0x3  }
0x10d: {  	v16 =	vmul.f32 v16, v3;
	v17 =	vmul.f32 v17, v7;
	_ =	sdelay $0x1  }
0x10e: {  	v16 =	vadd.f32 v17, v16;
	v17 =	vmul.f32 v18, v11;
	_ =	sdelay $0x1  }
0x10f: {  	v16 =	vadd.f32 v17, v16;
	_ =	sdelay $0x1  }
0x110: {  	v16 =	vadd.f32 v16, v15;
	_ =	sdelay $0x1  }
0x111: {  	[tilespmem:s21+$0xFFFFFFF0] =	vst v16  }
0x112: {  	v16 =	vld [tilespmem:s31+$0x0]  }
0x113: {  	v17 =	vld [tilespmem:s29+$0x0]  }
0x114: {  	v18 =	vld [tilespmem:s17+$0x0];
	_ =	sdelay $0x3  }
0x115: {  	v16 =	vmul.f32 v16, v0;
	v17 =	vmul.f32 v17, v4;
	_ =	sdelay $0x1  }
0x116: {  	v16 =	vadd.f32 v17, v16;
	v17 =	vmul.f32 v18, v8;
	_ =	sdelay $0x1  }
0x117: {  	v16 =	vadd.f32 v17, v16;
	_ =	sdelay $0x1  }
0x118: {  	v16 =	vadd.f32 v16, v12;
	_ =	sdelay $0x1  }
0x119: {  	[tilespmem:s21+$0x0] =	vst v16  }
0x11a: {  	v16 =	vld [tilespmem:s31+$0x10]  }
0x11b: {  	v17 =	vld [tilespmem:s29+$0x10]  }
0x11c: {  	v18 =	vld [tilespmem:s17+$0x10];
	_ =	sdelay $0x2  }
0x11d: {  	v16 =	vmul.f32 v16, v1  }
0x11e: {  	v17 =	vmul.f32 v17, v5;
	_ =	sdelay $0x1  }
0x11f: {  	v16 =	vadd.f32 v17, v16;
	v17 =	vmul.f32 v18, v9;
	_ =	sdelay $0x1  }
0x120: {  	v16 =	vadd.f32 v17, v16;
	_ =	sdelay $0x1  }
0x121: {  	v16 =	vadd.f32 v16, v13;
	_ =	sdelay $0x1  }
0x122: {  	[tilespmem:s21+$0x10] =	vst v16  }
0x123: {  	v16 =	vld [tilespmem:s31+$0x20]  }
0x124: {  	v17 =	vld [tilespmem:s29+$0x20]  }
0x125: {  	v18 =	vld [tilespmem:s17+$0x20];
	_ =	sdelay $0x3  }
0x126: {  	v16 =	vmul.f32 v16, v2;
	v17 =	vmul.f32 v17, v6;
	_ =	sdelay $0x1  }
0x127: {  	v16 =	vadd.f32 v17, v16;
	v17 =	vmul.f32 v18, v10;
	_ =	sdelay $0x1  }
0x128: {  	v16 =	vadd.f32 v17, v16;
	_ =	sdelay $0x1  }
0x129: {  	v16 =	vadd.f32 v16, v14;
	_ =	sdelay $0x1  }
0x12a: {  	[tilespmem:s21+$0x20] =	vst v16  }
0x12b: {  	v16 =	vld [tilespmem:s31+$0x30]  }
0x12c: {  	v17 =	vld [tilespmem:s29+$0x30]  }
0x12d: {  	v18 =	vld [tilespmem:s17+$0x30];
	_ =	sdelay $0x2  }
0x12e: {  	v16 =	vmul.f32 v16, v3  }
0x12f: {  	v17 =	vmul.f32 v17, v7;
	_ =	sdelay $0x1  }
0x130: {  	v16 =	vadd.f32 v17, v16;
	v17 =	vmul.f32 v18, v11;
	_ =	sdelay $0x1  }
0x131: {  	v16 =	vadd.f32 v17, v16;
	_ =	sdelay $0x1  }
0x132: {  	v16 =	vadd.f32 v16, v15;
	_ =	sdelay $0x1  }
0x133: {  	[tilespmem:s21+$0x30] =	vst v16  }
0x134: {  	v16 =	vld [tilespmem:s31+$0x40]  }
0x135: {  	v17 =	vld [tilespmem:s29+$0x40]  }
0x136: {  	v18 =	vld [tilespmem:s17+$0x40];
	_ =	sdelay $0x2  }
0x137: {  	v16 =	vmul.f32 v16, v0  }
0x138: {  	v17 =	vmul.f32 v17, v4;
	_ =	sdelay $0x1  }
0x139: {  	v16 =	vadd.f32 v17, v16;
	v17 =	vmul.f32 v18, v8;
	_ =	sdelay $0x1  }
0x13a: {  	v16 =	vadd.f32 v17, v16;
	_ =	sdelay $0x1  }
0x13b: {  	v16 =	vadd.f32 v16, v12;
	_ =	sdelay $0x1  }
0x13c: {  	[tilespmem:s21+$0x40] =	vst v16  }
0x13d: {  	v16 =	vld [tilespmem:s31+$0x50]  }
0x13e: {  	v17 =	vld [tilespmem:s29+$0x50]  }
0x13f: {  	v18 =	vld [tilespmem:s17+$0x50];
	_ =	sdelay $0x3  }
0x140: {  	v16 =	vmul.f32 v16, v1;
	v17 =	vmul.f32 v17, v5;
	_ =	sdelay $0x1  }
0x141: {  	v16 =	vadd.f32 v17, v16;
	v17 =	vmul.f32 v18, v9;
	_ =	sdelay $0x1  }
0x142: {  	v16 =	vadd.f32 v17, v16;
	_ =	sdelay $0x1  }
0x143: {  	v16 =	vadd.f32 v16, v13;
	_ =	sdelay $0x1  }
0x144: {  	[tilespmem:s21+$0x50] =	vst v16  }
0x145: {  	v16 =	vld [tilespmem:s31+$0x60]  }
0x146: {  	v17 =	vld [tilespmem:s29+$0x60]  }
0x147: {  	v18 =	vld [tilespmem:s17+$0x60];
	_ =	sdelay $0x2  }
0x148: {  	v16 =	vmul.f32 v16, v2  }
0x149: {  	v17 =	vmul.f32 v17, v6;
	_ =	sdelay $0x1  }
.Ltmp0:
0x14a: {  	v16 =	vadd.f32 v17, v16;
	v17 =	vmul.f32 v18, v10;
	(pc) =	sbr.rel @p1 .LBB2_3-.Ltmp0, $3  }
0x14b: {  	_ = 	snop  }
0x14c: {  	v16 =	vadd.f32 v17, v16;
	_ =	sdelay $0x1  }
0x14d: {  	s21 =	sadd.s32 $0x100, s21;
	s17 =	sadd.s32 $0x100, s17;
	v16 =	vadd.f32 v16, v14  }
0x14e: {  	_ = 	snop  }
0x14f: {  	[tilespmem:s28+$0x60] =	vst v16  }
0x150: {  	v16 =	vld [tilespmem:s18+$0x70]  }
0x151: {  	v17 =	vld [tilespmem:s20+$0x70];
	_ =	sdelay $0x1  }
0x152: {  	v18 =	vld [tilespmem:s30+$0x70];
	_ =	sdelay $0x2  }
0x153: {  	v16 =	vmul.f32 v16, v3;
	v17 =	vmul.f32 v17, v7;
	_ =	sdelay $0x1  }
0x154: {  	v18 =	vmul.f32 v18, v11;
	v16 =	vadd.f32 v17, v16;
	_ =	sdelay $0x1  }
0x155: {  	v16 =	vadd.f32 v18, v16  }
0x156: {  	p1 =	sne.s32 s26, $0x32  }
.Ltmp1:
0x157: {  	s0 =	sadd.s32 s12, s0;
	v16 =	vadd.f32 v16, v15;
	(pc) =	sbr.rel @p1 .LBB2_2-.Ltmp1, $4  }
0x158: {  	s0 =	sshrl.u32 s0, $0x3  }
0x159: {  	s0 =	sadd.s32 s3, s0;
	[tilespmem:s28+$0x70] =	vst v16  }
0x15a: {  	[hbm4b:s0+s4] =	stream.linear.scatter [tilespmem:s1], [sflag:$0x2], $0x2000, $0x38;
	[tilespmem:$0x14C00] =	vst v63  }
0x15b: {  	p0 =	por !p0, !p0;
	s0 =	smov.u32 s26  }
0x15c: {  	s25 =	sadd.s32 $0x1, s25  }
0x15d: {  	_ =	swait.ge [sflag:s24], $0x2000;
	p0 =	sne.s32 s25, s13  }
.Ltmp2:
0x15e: {  	[sflag:s24] =	ssyncset.done $0x0;
	(pc) =	sbr.rel @p0 .LBB2_1-.Ltmp2, $4  }
0x15f: {  	[sflag:s24] =	ssyncadd.s32 $0xFFFFE000  }
0x160: {  	_ =	swait.ge [sflag:s24], $0x2000  }
0x161: {  	[sflag:s24] =	ssyncset.done $0x0  }
0x162: {  	[sflag:s24] =	ssyncadd.s32 $0xFFFFE000  }
0x163: {  	_ =	sfence.sel $0x180000  }
0x164: {  	[bflag:$0x0] =	sbarrier.arrive $0xFFFF  }
0x165: {  	_ =	strace $0x90000047  }
0x166: {  	s0 =	stileid.u32;
	[bflag:$0x2] =	sbarrier.arrive $0xFFFF  }
0x167: {  	p0 =	sne.s32 s0, $0x0;
	s0 =	rddreg [dreg:$0x3]  }
0x168: {  	s0 =	sadd.s32 @!p0 $0x100000, s0  }
0x169: {  	[sflag:s0] =	ssyncadd.tile.s32 @!p0 $0x1;
	_ =	shalt  }
.Lfunc_end2:
_tile_overlayer_lowered:
.L_overlay_start_2:
0x16a: {  	(tag) =	ssettag $0x2  }
0x16b: {  	s0 =	rddreg [dreg:$0x0];
	s2 =	stileid.u32  }
0x16c: {  	s1 =	rddreg [dreg:$0x1];
	p0 =	sne.s32 s2, $0x0  }
0x16d: {  	s3 =	rddreg [dreg:$0x2];
	[bflag:$0x3] =	sbarrier.arrive $0xFFFF;
	s2 =	simm.s32 @!p0 $0x1C03  }
0x16e: {  	[timem:s3], [sflag:s2] =	dma.local @!p0 [hbm:s0], s1  }
0x16f: {  	s0 =	simm.s32 @!p0 $0x3  }
0x170: {  	_ =	swait.ge @!p0 [sflag:s0], s1  }
0x171: {  	s1 =	ssub.s32 @!p0 $0x0, s1;
	[sflag:s0] =	ssyncset.done @!p0 $0x0  }
0x172: {  	[sflag:s0] =	ssyncadd.s32 @!p0 s1  }
0x173: {  	[bflag:$0x3] =	sbarrier.arrive $0xFFFF  }
0x174: {  	_ =	shalt  }

// kernel: sparse-core-data-format-call.cloned.1.call-start
scs
called_computation_lowered:
.L_overlay_start_0:
0x0: {  	s2 =	sld [smem:$0x3FD9]  }
0x1: {  	s3 =	sld [smem:$0x3FFE];
	_ =	sdelay $0x1  }
0x2: {  	s1 =	srdreg.scid  }
0x3: {  	s0 =	sand.u32 $0x1, s1  }
0x4: {  	s18 =	sshll.u32 s0, $0xA;
	s2 =	sadd.s32 s3, s2  }
0x5: {  	s2 =	sadd.s32 s2, s18  }
0x6: {  	[smem:$0x3FC0] =	sst s2  }
0x7: {  	_ = 	snop  }
0x8: {  	s2 =	sld [smem:$0x3FD0];
	(tm) =	ssettm $0x1  }
0x9: {  	s19 =	sld [smem:$0x3FFB];
	_ =	sdelay $0x3  }
0xa: {  	_ =	strace s19  }
0xb: {  	s3 =	sld [smem:$0x3FFC];
	_ =	sdelay $0x3  }
0xc: {  	_ =	strace s3  }
0xd: {  	s3 =	sld [smem:$0x3FFD];
	_ =	sdelay $0x3  }
0xe: {  	_ =	strace s3  }
0xf: {  	_ =	strace $0x8FFFFFFF  }
0x10: {  	s20 =	sld [smem:$0x3FDB];
	_ =	sdelay $0x1  }
0x11: {  	s4 =	simm.s32 $_scs_section_size  }
0x12: {  	s5 =	simm.s32 $_size__tile_overlayer_lowered;
	s6 =	simm.s32 $_tile_overlayer_lowered  }
0x13: {  	s23 =	simm.s32 $0x1BFF;
	s22 =	sshll.u32 s6, $0x1;
	s3 =	sadd.s32 s4, s20  }
0x14: {  	s7 =	simm.s32 $0x0;
	s21 =	sshll.u32 s5, $0x1;
	s5 =	sadd.s32 s22, s3  }
0x15: {  	[timem:s7], [sflag:s23] =	dma.local [hbm:s5], s21  }
0x16: {  	_ =	swait.ge [sflag:s23], s21  }
0x17: {  	s4 =	ssub.s32 $0x0, s21;
	[sflag:s23] =	ssyncset.done $0x0  }
0x18: {  	[sflag:s23] =	ssyncadd.s32 s4;
	_ =	sdelay $0x1  }
0x19: {  	s24 =	simm.s32 $0x1B8B  }
0x1a: {  	_ =	swait.ge [sflag:s24], $0x1  }
0x1b: {  	[sflag:s24] =	ssyncset.done $0x0  }
0x1c: {  	s26 =	simm.s32 $0x1B8E;
	s25 =	sld [smem:$0x3FFE];
	[sflag:s24] =	ssyncadd.s32 $0xFFFFFFFF  }
0x1d: {  	s27 =	simm.s32 $execute0_lowered;
	[smem:$0x3FD2] =	sst s26  }
0x1e: {  	s5 =	sshll.u32 s27, $0x1;
	_ =	strace $0x80000049;
	[dreg:$0x1] =	wrdreg $0xFFFFFFFF  }
0x1f: {  	s28 =	simm.s32 $_size_execute0_lowered;
	s3 =	sadd.s32 s3, s5;
	[dreg:$0x0] =	wrdreg $0x0  }
0x20: {  	s5 =	sshll.u32 s28, $0x1;
	[dreg:$0x2] =	wrdreg s3  }
0x21: {  	[dreg:$0x3] =	wrdreg s5  }
0x22: {  	[dreg:$0x4] =	wrdreg $0xC0  }
0x23: {  	_ =	task [dreg:s7], $0x5FFFF  }
0x24: {  	[dreg:$0x1] =	wrdreg $0xFFFFFFFF  }
0x25: {  	[dreg:$0x0] =	wrdreg $0x60  }
0x26: {  	[dreg:$0x2] =	wrdreg s25  }
0x27: {  	[dreg:$0x3] =	wrdreg s2  }
0x28: {  	[dreg:$0x4] =	wrdreg $0x9  }
0x29: {  	_ =	task.clear_ibuf [dreg:s7], $0x5FFFF;
	_ =	strace $0x90000049  }
0x2a: {  	s29 =	simm.s32 $0x9;
	_ =	strace $0x8000004B  }
0x2b: {  	_ =	swait.ge [sflag:s29], $0x1  }
0x2c: {  	[sflag:s29] =	ssyncadd.s32 $0xFFFFFFFF  }
0x2d: {  	_ =	strace $0x9000004B  }
0x2e: {  	_ =	sfence  }
0x2f: {  	s30 =	sld [smem:$0x0];
	_ =	sdelay $0x2  }
0x30: {  	s31 =	sshll.u32 s1, $0xD;
	s1 =	sshrl.u32 s1, $0x2  }
0x31: {  	s3 =	sand.u32 $0x4000, s31;
	s1 =	sadd.s32 s1, s30  }
0x32: {  	s0 =	sor.u32 s3, s0;
	s1 =	sshll.u32 s1, $0x11  }
0x33: {  	s0 =	sor.u32 s1, s0  }
0x34: {  	s0 =	sadd.s32 $0x8F2B, s0  }
0x35: {  	[sflag:s0] =	ssyncadd.remote.s32 $0x1  }
0x36: {  	_ =	sfence.sel $0xFFFF  }
0x37: {  	[dreg:$0x0] =	wrdreg $0xFFFFFFFF;
	(pc) =	sbr.abs _section_cstart, $3  }
0x38: {  	[dreg:$0x1] =	wrdreg $0xFFFFFFFF  }
0x39: {  	_ =	task.clear_ibuf [dreg:s7], $0x2FFFF;
	_ =	strace $0x9FFFFFFF  }
0x3a: {  	(tm) =	ssettm $0x7FFFFFFF  }
0x3b: {  	_ =	shalt  }
tec
execute0_lowered:
.L_overlay_start_1:
0x0: {  	(tag) =	ssettag $0x1  }
0x1: {  	s0 =	stileid.u32;
	s6 =	rddreg [dreg:$0x0]  }
0x2: {  	s2 =	rddreg [dreg:$0x1];
	s5 =	srdreg.scid  }
0x3: {  	s31 =	simm.s32 $0x2;
	s13 =	simm.s32 $0x0;
	s1 =	sshll.u32 s0, $0x7  }
0x4: {  	s14 =	simm.s32 $0x0;
	s12 =	simm.s32 $0x0;
	s3 =	sand.u32 $0x380, s1  }
0x5: {  	s5 =	sshll.u32 s5, $0x4;
	s6 =	sadd.s32 $0x1400, s6;
	s4 =	ssub.s32 $0x400, s3  }
0x6: {  	s1 =	rddreg [dreg:$0x2];
	_ =	strace $0x8000004A;
	s7 =	sand.u32 $0x380, s4  }
0x7: {  	s5 =	sand.u32 $0x10, s5;
	p0 =	sne.s32 s7, $0x0;
	s7 =	simm.s32 $0x1  }
.Ltmp0:
0x8: {  	s8 =	sshrl.u32 s4, $0xA;
	s7 =	simm.s32 @!p0 $0x0;
	(pc) =	sbr.rel .LBB1_1-.Ltmp0, $4  }
0x9: {  	s9 =	sor.u32 s0, s5;
	s4 =	simm.s32 $0x1;
	s30 =	sadd.s32 s7, s8  }
0xa: {  	s11 =	smov.u32 s3;
	[sflag:s4] =	ssyncpa.u1 $0x0;
	s5 =	smul.u32 $0x32, s30  }
0xb: {  	[sflag:s31] =	ssyncpa.u1 $0x0;
	p0 =	por $0x0, $0x0;
	s7 =	sshrl.u32 s9, $0x3  }
0xc: {  	s9 =	simm.s32 $0x2000;
	s10 =	smov.u32 s7;
	s8 =	sor.u32 $0x1, s5  }
.LBB1_4:
0xd: {  	s17 =	sand.u32 $0x1F80, s14;
	s13 =	sshll.u32 s13, $0xD  }
0xe: {  	[tilespmem:s16+$0x810 ss:$0x81] =	vst.msk $0xffff, v2;
	s18 =	sshrl.u32 s14, $0x3;
	s31 =	sand.u32 $0x7, s14;
	s17 =	sadd.s32 s2, s17  }
0xf: {  	[tilespmem:s16+$0x1020 ss:$0x81] =	vst.msk $0xffff, v0;
	s18 =	sand.u32 $0xF, s18;
	s14 =	sshll.u32 s31, $0x12;
	s13 =	sadd.s32 s13, s17  }
0x10: {  	[tilespmem:s16+$0x0 ss:$0x81] =	vst.msk $0xffff, v1;
	s14 =	sor.u32 $0x400, s14;
	s13 =	sadd.s32 s18, s13  }
0x11: {  	[hbm4b:s13+s14] =	stream.strided.scatter [tilespmem:s15], [sflag:$0x2], $0x2000, s9, s14, $0x20;
	[tilespmem:$0x8080] =	vst v63  }
.LBB1_5:
0x12: {  	s15 =	sadd.s32 $0x4, s10  }
0x13: {  	s13 =	sadd.s32 $0x400, s11;
	s17 =	smov.u32 s11;
	p2 =	sgt.s32 s15, $0xC7  }
0x14: {  	s17 =	smov.u32 @p2 s13  }
0x15: {  	s15 =	smov.u32 @p2 s7;
	p2 =	sgt.s32 s17, $0x3FF  }
0x16: {  	s17 =	smov.u32 @p2 s3;
	p2 =	sne.s32 s12, s8  }
.Ltmp1:
0x17: {  	p1 =	slt.u32 s12, $0x2;
	(pc) =	sbr.rel @!p2 .LBB1_6-.Ltmp1, $4  }
0x18: {  	s16 =	simm.s32 @!p1 $0x2  }
0x19: {  	s14 =	smov.u32 s11;
	p0 =	por !p0, !p0;
	_ =	swait.ge @!p1 [sflag:s16], $0x2000  }
0x1a: {  	s13 =	smov.u32 s10;
	[sflag:s16] =	ssyncset.done @!p1 $0x0;
	s10 =	smov.u32 s15  }
0x1b: {  	s12 =	sadd.s32 $0x1, s12;
	[sflag:s16] =	ssyncadd.s32 @!p1 $0xFFFFE000;
	s11 =	smov.u32 s17  }
.LBB1_1:
0x1c: {  	p1 =	sge.u32 s12, s5  }
0x1d: {  	s15 =	sand.u32 @!p1 $0x1FFFFFF, s10  }
0x1e: {  	s16 =	smulhi.u32 @!p1 $0x147AE15, s15;
	_ =	sdelay $0x1  }
0x1f: {  	s16 =	smul.u32 @!p1 $0xC8, s16  }
0x20: {  	s17 =	sxor.u32 @!p1 $0xFFFFFFFF, s12;
	s18 =	smul.u32 @!p1 $0xC80, s11  }
0x21: {  	s31 =	sadd.s32 $0xFFFFFFFF, s12;
	s17 =	sshll.u32 @!p1 s17, $0xD;
	s15 =	ssub.s32 @!p1 s15, s16  }
0x22: {  	s16 =	sand.u32 @!p1 $0x2000, s17;
	s17 =	sadd.s32 @!p1 s6, s18;
	s15 =	sshll.u32 @!p1 s15, $0x4  }
0x23: {  	s18 =	simm.s32 @!p1 $0x6400;
	s15 =	sadd.s32 @!p1 s15, s17;
	s17 =	simm.s32 @!p1 $0x40  }
0x24: {  	[tilespmem:s16], [sflag:$0x1] =	stream.strided.gather @!p1 [hbm4b:s15+s17], $0x2000, s18, s17, $0x38;
	[tilespmem:$0x8080] =	vst v63  }
0x25: {  	p1 =	sge.u32 s31, s5  }
.Ltmp2:
0x26: {  	_ = 	snop;
	(pc) =	sbr.rel @p1 .LBB1_5-.Ltmp2, $1  }
0x27: {  	_ =	sdelay $0x3  }
0x28: {  	s15 =	simm.s32 $0x1  }
0x29: {  	_ =	swait.ge [sflag:s4], $0x2000;
	s15 =	simm.s32 @!p0 $0x0  }
0x2a: {  	[sflag:s4] =	ssyncset.done $0x0;
	s16 =	sshll.u32 s15, $0xD  }
0x2b: {  	[sflag:s4] =	ssyncadd.s32 $0xFFFFE000;
	s19 =	sor.u32 $0x20, s16  }
0x2c: {  	s15 =	smul.u32 $0x8100, s15;
	v3 =	vld [tilespmem:s19+$0x10]  }
0x2d: {  	s30 =	sand.u32 $0x1, s12;
	v2 =	vld [tilespmem:s19+$0xFFFFFFF0]  }
0x2e: {  	s16 =	smul.u32 $0x8100, s30;
	s15 =	sshrl.u32 s15, $0x2;
	v0 =	vld [tilespmem:s19+$0x0]  }
0x2f: {  	v1 =	vld [tilespmem:s19+$0xFFFFFFE0];
	s17 =	sor.u32 $0x4000, s15  }
0x30: {  	s31 =	sshrl.u32 s16, $0x2;
	s16 =	sadd.s32 $0x0, s17  }
0x31: {  	s18 =	simm.s32 $0x4;
	s19 =	sadd.s32 $0x40, s19;
	s15 =	sor.u32 $0x4000, s31;
	[tilespmem:s16+$0x1830 ss:$0x81] =	vst.msk $0xffff, v3  }
.LBB1_3:
0x32: {  	v3 =	vld [tilespmem:s19+$0x10];
	p1 =	sne.s32 s18, $0x1FC;
	[tilespmem:s16+$0x810 ss:$0x81] =	vst.msk $0xffff, v2;
	s20 =	smov.u32 s18;
	s18 =	sadd.s32 $0x4, s18  }
.Ltmp3:
0x33: {  	v2 =	vld [tilespmem:s19+$0xFFFFFFF0];
	[tilespmem:s16+$0x1020 ss:$0x81] =	vst.msk $0xffff, v0;
	(pc) =	sbr.rel @p1 .LBB1_3-.Ltmp3, $4  }
0x34: {  	v0 =	vld [tilespmem:s19+$0x0];
	[tilespmem:s16+$0x0 ss:$0x81] =	vst.msk $0xffff, v1  }
0x35: {  	s16 =	sshra.s32 s20, $0x2;
	v1 =	vld [tilespmem:s19+$0xFFFFFFE0]  }
0x36: {  	s16 =	sadd.s32 s16, s17  }
0x37: {  	s19 =	sadd.s32 $0x40, s19;
	[tilespmem:s16+$0x1830 ss:$0x81] =	vst.msk $0xffff, v3  }
.Ltmp4:
0x38: {  	_ = 	snop;
	(pc) =	sbr.rel .LBB1_4-.Ltmp4, $1  }
0x39: {  	_ =	sdelay $0x3  }
.LBB1_6:
0x3a: {  	_ =	sfence.sel $0x180000  }
0x3b: {  	s2 =	simm.s32 $0x1;
	[bflag:$0x0] =	sbarrier.arrive $0xFFFF  }
0x3c: {  	s31 =	simm.s32 $0x2;
	[sflag:s2] =	ssyncpa.u1 $0x1  }
0x3d: {  	[sflag:s31] =	ssyncpa.u1 $0x1  }
0x3e: {  	p0 =	sne.s32 s0, $0x0;
	_ =	strace $0x9000004A  }
0x3f: {  	s0 =	sadd.s32 @!p0 $0x100000, s1;
	[bflag:$0x2] =	sbarrier.arrive $0xFFFF  }
0x40: {  	[sflag:s0] =	ssyncadd.tile.s32 @!p0 $0x1;
	_ =	shalt  }
.Lfunc_end1:
_tile_overlayer_lowered:
.L_overlay_start_2:
0x41: {  	(tag) =	ssettag $0x2  }
0x42: {  	s0 =	rddreg [dreg:$0x0];
	s2 =	stileid.u32  }
0x43: {  	s1 =	rddreg [dreg:$0x1];
	p0 =	sne.s32 s2, $0x0  }
0x44: {  	s3 =	rddreg [dreg:$0x2];
	[bflag:$0x3] =	sbarrier.arrive $0xFFFF;
	s2 =	simm.s32 @!p0 $0x1C01  }
0x45: {  	[timem:s3], [sflag:s2] =	dma.local @!p0 [hbm:s0], s1  }
0x46: {  	s0 =	simm.s32 @!p0 $0x1  }
0x47: {  	_ =	swait.ge @!p0 [sflag:s0], s1  }
0x48: {  	s1 =	ssub.s32 @!p0 $0x0, s1;
	[sflag:s0] =	ssyncset.done @!p0 $0x0  }
0x49: {  	[sflag:s0] =	ssyncadd.s32 @!p0 s1  }
0x4a: {  	[bflag:$0x3] =	sbarrier.arrive $0xFFFF  }
0x4b: {  	_ =	shalt  }

</sc_bundles>
